<compile_context>
chip_gen: v7x
topology: tpu7x:2x2x1
jax: 0.10.2.dev20260603
libtpu: 0.0.44.dev20260713+nightly
codegen_flags: <defaults>
</compile_context>

<pallas_src>
import functools

import jax
import jax.numpy as jnp
from jax import lax
from jax.experimental import pallas as pl
from jax.experimental.pallas import tpu as pltpu
from jax.experimental.pallas import tpu_sc as plsc

N = 10000
E = 320000
D = 128

NC = 2
NS = 16
NPAD = 10240
HALF = D // NC
ROWS_PT = NPAD // NS
CHUNK = 128
ECHUNKS = 2560
E_PAD = ECHUNKS * CHUNK
CPT = ECHUNKS // NS
HCPT = CPT // 2
CPW = ECHUNKS // (NC * NS)

_mesh = plsc.VectorSubcoreMesh(
    core_axis_name="c", subcore_axis_name="s", num_cores=NC, num_subcores=NS
)


DEGW = 16


@functools.partial(
    pl.kernel,
    out_type=jax.ShapeDtypeStruct((NC, NPAD, DEGW), jnp.float32),
    mesh=_mesh,
    scratch_types=dict(
        dacc=pltpu.VMEM_SHARED((NPAD, DEGW), jnp.float32),
        ones_v=pltpu.VMEM((CHUNK, DEGW), jnp.float32),
        didx=pltpu.VMEM((CPW, CHUNK), jnp.int32),
    ),
    compiler_params=pltpu.CompilerParams(use_tc_tiling_on_sc=False),
)
def _deg_kernel(dst_hbm, zcol_hbm, ones_hbm, out_hbm, dacc, ones_v, didx):
    c = lax.axis_index("c")
    s = lax.axis_index("s")

    pltpu.sync_copy(ones_hbm, ones_v)
    pltpu.sync_copy(zcol_hbm.at[pl.ds(s * ROWS_PT, ROWS_PT)],
                    dacc.at[pl.ds(s * ROWS_PT, ROWS_PT)])
    w = s * NC + c
    pltpu.sync_copy(dst_hbm.at[pl.ds(w * CPW, CPW)], didx)
    plsc.subcore_barrier()

    @pl.loop(0, CPW)
    def _edges(k):
        pltpu.sync_copy(ones_v, dacc.at[didx.at[k]], add=True)

    plsc.subcore_barrier()
    pltpu.sync_copy(
        dacc.at[pl.ds(s * ROWS_PT, ROWS_PT)],
        out_hbm.at[c, pl.ds(s * ROWS_PT, ROWS_PT)],
    )


@functools.partial(
    pl.kernel,
    out_type=jax.ShapeDtypeStruct((NC, NPAD, HALF), jnp.float32),
    mesh=_mesh,
    scratch_types=dict(
        table=pltpu.VMEM_SHARED((NPAD, HALF), jnp.float32),
        acc=pltpu.VMEM_SHARED((NPAD, HALF), jnp.float32),
        sidx=pltpu.VMEM((HCPT, CHUNK), jnp.int32),
        didx=pltpu.VMEM((HCPT, CHUNK), jnp.int32),
        rows_a=pltpu.VMEM((CHUNK, HALF), jnp.float32),
        rows_b=pltpu.VMEM((CHUNK, HALF), jnp.float32),
        sem_a=pltpu.SemaphoreType.DMA,
        sem_b=pltpu.SemaphoreType.DMA,
    ),
    compiler_params=pltpu.CompilerParams(use_tc_tiling_on_sc=False),
)
def _edge_kernel(scaled_hbm, src_hbm, dst_hbm, zeros_hbm, out_hbm, table, acc,
                 sidx, didx, rows_a, rows_b, sem_a, sem_b):
    c = lax.axis_index("c")
    s = lax.axis_index("s")
    r0 = s * ROWS_PT

    pltpu.sync_copy(scaled_hbm.at[c, pl.ds(r0, ROWS_PT)],
                    table.at[pl.ds(r0, ROWS_PT)])
    pltpu.sync_copy(zeros_hbm.at[pl.ds(r0, ROWS_PT)], acc.at[pl.ds(r0, ROWS_PT)])
    k0 = s * CPT

    plsc.subcore_barrier()

    def gather(k, rows, sem):
        return pltpu.async_copy(table.at[sidx.at[k]], rows, sem)

    def gather_wait(k, rows, sem):
        pltpu.make_async_copy(table.at[sidx.at[k]], rows, sem).wait()

    def scatter(k, rows):
        pltpu.sync_copy(rows, acc.at[didx.at[k]], add=True)

    for h in range(2):
        pltpu.sync_copy(src_hbm.at[pl.ds(k0 + h * HCPT, HCPT)], sidx)
        pltpu.sync_copy(dst_hbm.at[pl.ds(k0 + h * HCPT, HCPT)], didx)

        gather(0, rows_a, sem_a)

        @pl.loop(0, (HCPT - 2) // 2)
        def _pairs(p):
            k = 2 * p
            gather_wait(k, rows_a, sem_a)
            gather(k + 1, rows_b, sem_b)
            scatter(k, rows_a)
            gather_wait(k + 1, rows_b, sem_b)
            gather(k + 2, rows_a, sem_a)
            scatter(k + 1, rows_b)

        gather_wait(HCPT - 2, rows_a, sem_a)
        gather(HCPT - 1, rows_b, sem_b)
        scatter(HCPT - 2, rows_a)
        gather_wait(HCPT - 1, rows_b, sem_b)
        scatter(HCPT - 1, rows_b)

    plsc.subcore_barrier()
    pltpu.sync_copy(
        acc.at[pl.ds(r0, ROWS_PT)],
        out_hbm.at[c, pl.ds(r0, ROWS_PT)],
    )


BLK = 1280


def _split_store(ref, val):
    ref[0] = val[:, :HALF]
    ref[1] = val[:, HALF:]


def _prep_body(x_ref, w_ref, deg_ref, scaled_ref, dinv_ref):
    mm = jnp.dot(x_ref[...], w_ref[...], preferred_element_type=jnp.float32)
    d = deg_ref[...]
    dinv = lax.rsqrt(1.0 + d[0] + d[1])
    _split_store(scaled_ref, dinv * mm)
    dinv_ref[...] = dinv


_prep_call = pl.pallas_call(
    _prep_body,
    grid=(NPAD // BLK,),
    in_specs=[
        pl.BlockSpec((BLK, D), lambda i: (i, 0)),
        pl.BlockSpec((D, D), lambda i: (0, 0)),
        pl.BlockSpec((NC, BLK, 1), lambda i: (0, i, 0)),
    ],
    out_specs=[
        pl.BlockSpec((NC, BLK, HALF), lambda i: (0, i, 0)),
        pl.BlockSpec((BLK, 1), lambda i: (i, 0)),
    ],
    out_shape=[
        jax.ShapeDtypeStruct((NC, NPAD, HALF), jnp.float32),
        jax.ShapeDtypeStruct((NPAD, 1), jnp.float32),
    ],
)


def _merge_acc(acc_ref):
    a = acc_ref[...]
    return jnp.concatenate([a[0], a[1]], axis=1)


def _mid_body(acc_ref, sc_ref, dinv_ref, b1_ref, w2_ref, out_ref):
    dinv = dinv_ref[...]
    h = jnp.maximum(
        dinv * (_merge_acc(acc_ref) + _merge_acc(sc_ref)) + b1_ref[...], 0.0)
    _split_store(out_ref, dinv * jnp.dot(h, w2_ref[...],
                                         preferred_element_type=jnp.float32))


_mid_call = pl.pallas_call(
    _mid_body,
    grid=(NPAD // BLK,),
    in_specs=[
        pl.BlockSpec((NC, BLK, HALF), lambda i: (0, i, 0)),
        pl.BlockSpec((NC, BLK, HALF), lambda i: (0, i, 0)),
        pl.BlockSpec((BLK, 1), lambda i: (i, 0)),
        pl.BlockSpec((1, D), lambda i: (0, 0)),
        pl.BlockSpec((D, D), lambda i: (0, 0)),
    ],
    out_specs=pl.BlockSpec((NC, BLK, HALF), lambda i: (0, i, 0)),
    out_shape=jax.ShapeDtypeStruct((NC, NPAD, HALF), jnp.float32),
)


def _final_body(acc_ref, sc_ref, dinv_ref, b2_ref, pku_ref, out_ref):
    z = (dinv_ref[...] * (_merge_acc(acc_ref) + _merge_acc(sc_ref))
         + b2_ref[...])
    e = jnp.maximum(z + pku_ref[...], 0.0)
    m = jnp.max(e, axis=1, keepdims=True)
    lse = jnp.log(jnp.sum(jnp.exp(e - m), axis=1, keepdims=True))
    out_ref[...] = e - m - lse


_final_call = pl.pallas_call(
    _final_body,
    grid=(NPAD // BLK,),
    in_specs=[
        pl.BlockSpec((NC, BLK, HALF), lambda i: (0, i, 0)),
        pl.BlockSpec((NC, BLK, HALF), lambda i: (0, i, 0)),
        pl.BlockSpec((BLK, 1), lambda i: (i, 0)),
        pl.BlockSpec((1, D), lambda i: (0, 0)),
        pl.BlockSpec((1, D), lambda i: (0, 0)),
    ],
    out_specs=pl.BlockSpec((BLK, D), lambda i: (i, 0)),
    out_shape=jax.ShapeDtypeStruct((NPAD, D), jnp.float32),
)


def kernel(x, edge_index, W1, b1, W2, b2, P, K, U):
    pad = NPAD - 240 + (jnp.arange(E_PAD - E, dtype=jnp.int32) % 240)
    src = jnp.concatenate([edge_index[0].astype(jnp.int32), pad])
    dst = jnp.concatenate([edge_index[1].astype(jnp.int32), pad])
    src = src.reshape(ECHUNKS, CHUNK)
    dst = dst.reshape(ECHUNKS, CHUNK)
    x_p = jnp.pad(x, ((0, NPAD - N), (0, 0)))

    zcol = jnp.zeros((NPAD, DEGW), jnp.float32)
    ones_c = jnp.ones((CHUNK, DEGW), jnp.float32)
    zeros_half = jnp.zeros((NPAD, HALF), jnp.float32)
    deg = _deg_kernel(dst, zcol, ones_c)[:, :, :1]

    scaled1, dinv = _prep_call(x_p, W1, deg)
    acc1 = _edge_kernel(scaled1, src, dst, zeros_half)
    scaled2 = _mid_call(acc1, scaled1, dinv, b1.reshape(1, D), W2)
    acc2 = _edge_kernel(scaled2, src, dst, zeros_half)
    pku = (P * K * U).reshape(1, D)
    out = _final_call(acc2, scaled2, dinv, b2.reshape(1, D), pku)
    return out[:N]

# --- scband reference (transcript-rebuilt; emitter-appended) ---
"""Pipeline reference for scband-ke-gnn-2147483648537 (READ-ONLY COPY).

The authoritative reference and input builder live on the scoring server;
editing this copy changes nothing except your own understanding.
"""

import jax, jax.numpy as jnp
import numpy as np

N_NODES = 10000
N_EDGES = 320000
D_IN = 128
D_HID = 128
D_OUT = 128


def gcn_conv(x, edge_index, W, b, n_nodes):
    src = edge_index[0]
    dst = edge_index[1]
    self_idx = jnp.arange(n_nodes, dtype=edge_index.dtype)
    src = jnp.concatenate([src, self_idx])
    dst = jnp.concatenate([dst, self_idx])
    deg = jax.ops.segment_sum(jnp.ones_like(dst, dtype=x.dtype), dst, num_segments=n_nodes)
    dinv = jnp.where(deg > 0, deg ** -0.5, 0.0)
    norm = dinv[src] * dinv[dst]
    h = x @ W
    msgs = h[src] * norm[:, None]
    out = jax.ops.segment_sum(msgs, dst, num_segments=n_nodes)
    return out + b


def setup_inputs(seed: int = 0) -> dict:
    key = jax.random.key(seed)
    ks = jax.random.split(key, 10)
    x = jax.random.normal(ks[0], (N_NODES, D_IN), dtype=jnp.float32)
    edge_index = jax.random.randint(ks[1], (2, N_EDGES), 0, N_NODES, dtype=jnp.int64)
    W1 = jax.random.normal(ks[2], (D_IN, D_HID), dtype=jnp.float32) * (1.0 / np.sqrt(D_IN))
    b1 = jnp.zeros((D_HID,), dtype=jnp.float32)
    W2 = jax.random.normal(ks[3], (D_HID, D_OUT), dtype=jnp.float32) * (1.0 / np.sqrt(D_HID))
    b2 = jnp.zeros((D_OUT,), dtype=jnp.float32)
    P = jax.random.normal(ks[4], (D_OUT,), dtype=jnp.float32)
    K = jax.random.normal(ks[5], (D_OUT,), dtype=jnp.float32)
    U = jax.random.normal(ks[6], (D_OUT,), dtype=jnp.float32)
    return {"x": x, "edge_index": edge_index, "W1": W1, "b1": b1, "W2": W2, "b2": b2, "P": P, "K": K, "U": U}


def reference(x, edge_index, W1, b1, W2, b2, P, K, U):
    h = gcn_conv(x, edge_index, W1, b1, N_NODES)
    h = jax.nn.relu(h)
    h = gcn_conv(h, edge_index, W2, b2, N_NODES)
    knowledge_adjustment = P * K * U
    enhanced = jax.nn.relu(h + knowledge_adjustment)
    return jax.nn.log_softmax(enhanced, axis=1)

if __name__ == "__main__":
    import jax
    _d = setup_inputs()
    print(jax.jit(kernel)(*tuple(_d.values())))

</pallas_src>

<mosaic_0001>
#map = affine_map<(d0, d1) -> (0, 0, 0)>
#map1 = affine_map<(d0, d1) -> (0, 0)>
module attributes {stable_mosaic.version = 14 : i64} {
  func.func @_edge_kernel(%arg0: i32, %arg1: i32, %arg2: memref<2x10240x64xf32, #tpu.memory_space<hbm>>, %arg3: memref<2560x128xi32, #tpu.memory_space<hbm>>, %arg4: memref<2560x128xi32, #tpu.memory_space<hbm>>, %arg5: memref<10240x64xf32, #tpu.memory_space<hbm>>, %arg6: memref<2x10240x64xf32, #tpu.memory_space<hbm>>, %arg7: memref<10240x64xf32, #tpu.memory_space<vmem_shared>>, %arg8: memref<80x128xi32, #tpu.memory_space<vmem>>, %arg9: memref<128x64xf32, #tpu.memory_space<vmem>>, %arg10: memref<128x64xf32, #tpu.memory_space<vmem>>, %arg11: memref<!tpu.dma_semaphore, #tpu.memory_space<semaphore_mem>>, %arg12: memref<!tpu.dma_semaphore, #tpu.memory_space<semaphore_mem>>, %arg13: memref<80x128xi32, #tpu.memory_space<vmem>>, %arg14: memref<10240x64xf32, #tpu.memory_space<vmem_shared>>) attributes {dimension_semantics = [#tpu.dimension_semantics<core_parallel>, #tpu.dimension_semantics<subcore_parallel>], iteration_bounds = array<i64: 2, 16>, scalar_prefetch = 0 : i64, scratch_operands = 8 : i64, tpu.core_type = #tpu.core_type<sc_vector_subcore>, window_params = [{transform_indices = #map}, {transform_indices = #map1}, {transform_indices = #map1}, {transform_indices = #map1}, {transform_indices = #map}]} {
    %mul3A = arith.constant 640 : i32
    %mul3A_0 = arith.muli %arg1, %mul3A : i32
    "tpu.region"() ({
      %run_scoped3A_77 = tpu.sem_alloc : memref<!tpu.dma_semaphore, #tpu.memory_space<semaphore_mem>>
      %dma_start3A_78 = arith.constant 0 : i32
      %dma_start3A_79 = tpu.memref_slice %arg14[%mul3A_0, %dma_start3A_78] : memref<10240x64xf32, #tpu.memory_space<vmem_shared>> -> memref<640x64xf32, #tpu.memory_space<vmem_shared>>
      %dma_start3A_80 = arith.constant 0 : i32
      %dma_start3A_81 = tpu.memref_slice %arg2[%arg0, %mul3A_0, %dma_start3A_80] : memref<2x10240x64xf32, #tpu.memory_space<hbm>> -> memref<1x640x64xf32, #tpu.memory_space<hbm>>
      %dma_start3A_82 = tpu.memref_squeeze %dma_start3A_81 : memref<1x640x64xf32, #tpu.memory_space<hbm>> -> memref<640x64xf32, #tpu.memory_space<hbm>>
      tpu.enqueue_dma source(%dma_start3A_82 : memref<640x64xf32, #tpu.memory_space<hbm>>) target(%dma_start3A_79 : memref<640x64xf32, #tpu.memory_space<vmem_shared>>) target_semaphore(%run_scoped3A_77 : memref<!tpu.dma_semaphore, #tpu.memory_space<semaphore_mem>>)
      %dma_wait3A_83 = arith.constant 0 : i32
      %dma_wait3A_84 = tpu.memref_slice %arg14[%mul3A_0, %dma_wait3A_83] : memref<10240x64xf32, #tpu.memory_space<vmem_shared>> -> memref<640x64xf32, #tpu.memory_space<vmem_shared>>
      %dma_wait3A_85 = arith.constant 0 : i32
      %dma_wait3A_86 = tpu.memref_slice %arg2[%arg0, %mul3A_0, %dma_wait3A_85] : memref<2x10240x64xf32, #tpu.memory_space<hbm>> -> memref<1x640x64xf32, #tpu.memory_space<hbm>>
      %dma_wait3A_87 = tpu.memref_squeeze %dma_wait3A_86 : memref<1x640x64xf32, #tpu.memory_space<hbm>> -> memref<640x64xf32, #tpu.memory_space<hbm>>
      tpu.wait_dma2 semaphore(%run_scoped3A_77 : memref<!tpu.dma_semaphore, #tpu.memory_space<semaphore_mem>>) src(%dma_wait3A_87 : memref<640x64xf32, #tpu.memory_space<hbm>>) dst(%dma_wait3A_84 : memref<640x64xf32, #tpu.memory_space<vmem_shared>>)
      tpu.yield
    }) : () -> ()
    "tpu.region"() ({
      %run_scoped3A_77 = tpu.sem_alloc : memref<!tpu.dma_semaphore, #tpu.memory_space<semaphore_mem>>
      %dma_start3A_78 = arith.constant 0 : i32
      %dma_start3A_79 = tpu.memref_slice %arg7[%mul3A_0, %dma_start3A_78] : memref<10240x64xf32, #tpu.memory_space<vmem_shared>> -> memref<640x64xf32, #tpu.memory_space<vmem_shared>>
      %dma_start3A_80 = arith.constant 0 : i32
      %dma_start3A_81 = tpu.memref_slice %arg5[%mul3A_0, %dma_start3A_80] : memref<10240x64xf32, #tpu.memory_space<hbm>> -> memref<640x64xf32, #tpu.memory_space<hbm>>
      tpu.enqueue_dma source(%dma_start3A_81 : memref<640x64xf32, #tpu.memory_space<hbm>>) target(%dma_start3A_79 : memref<640x64xf32, #tpu.memory_space<vmem_shared>>) target_semaphore(%run_scoped3A_77 : memref<!tpu.dma_semaphore, #tpu.memory_space<semaphore_mem>>)
      %dma_wait3A_82 = arith.constant 0 : i32
      %dma_wait3A_83 = tpu.memref_slice %arg7[%mul3A_0, %dma_wait3A_82] : memref<10240x64xf32, #tpu.memory_space<vmem_shared>> -> memref<640x64xf32, #tpu.memory_space<vmem_shared>>
      %dma_wait3A_84 = arith.constant 0 : i32
      %dma_wait3A_85 = tpu.memref_slice %arg5[%mul3A_0, %dma_wait3A_84] : memref<10240x64xf32, #tpu.memory_space<hbm>> -> memref<640x64xf32, #tpu.memory_space<hbm>>
      tpu.wait_dma2 semaphore(%run_scoped3A_77 : memref<!tpu.dma_semaphore, #tpu.memory_space<semaphore_mem>>) src(%dma_wait3A_85 : memref<640x64xf32, #tpu.memory_space<hbm>>) dst(%dma_wait3A_83 : memref<640x64xf32, #tpu.memory_space<vmem_shared>>)
      tpu.yield
    }) : () -> ()
    %mul3A_1 = arith.constant 160 : i32
    %mul3A_2 = arith.muli %arg1, %mul3A_1 : i32
    %barrier3A = arith.constant 0 : index
    tpu.barrier barrier_id(%barrier3A)
    %add3A = arith.constant 0 : i32
    %add3A_3 = arith.addi %mul3A_2, %add3A : i32
    "tpu.region"() ({
      %run_scoped3A_77 = tpu.sem_alloc : memref<!tpu.dma_semaphore, #tpu.memory_space<semaphore_mem>>
      %dma_start3A_78 = arith.constant 0 : i32
      %dma_start3A_79 = tpu.memref_slice %arg3[%add3A_3, %dma_start3A_78] : memref<2560x128xi32, #tpu.memory_space<hbm>> -> memref<80x128xi32, #tpu.memory_space<hbm>>
      %dma_start3A_80 = arith.constant 0 : i32
      %dma_start3A_81 = tpu.memref_slice %arg3[%add3A_3, %dma_start3A_80] : memref<2560x128xi32, #tpu.memory_space<hbm>> -> memref<80x128xi32, #tpu.memory_space<hbm>>
      tpu.enqueue_dma source(%dma_start3A_81 : memref<80x128xi32, #tpu.memory_space<hbm>>) target(%arg13 : memref<80x128xi32, #tpu.memory_space<vmem>>) target_semaphore(%run_scoped3A_77 : memref<!tpu.dma_semaphore, #tpu.memory_space<semaphore_mem>>)
      %dma_wait3A_82 = arith.constant 0 : i32
      %dma_wait3A_83 = tpu.memref_slice %arg3[%add3A_3, %dma_wait3A_82] : memref<2560x128xi32, #tpu.memory_space<hbm>> -> memref<80x128xi32, #tpu.memory_space<hbm>>
      %dma_wait3A_84 = arith.constant 0 : i32
      %dma_wait3A_85 = tpu.memref_slice %arg3[%add3A_3, %dma_wait3A_84] : memref<2560x128xi32, #tpu.memory_space<hbm>> -> memref<80x128xi32, #tpu.memory_space<hbm>>
      tpu.wait_dma2 semaphore(%run_scoped3A_77 : memref<!tpu.dma_semaphore, #tpu.memory_space<semaphore_mem>>) src(%dma_wait3A_85 : memref<80x128xi32, #tpu.memory_space<hbm>>) dst(%arg13 : memref<80x128xi32, #tpu.memory_space<vmem>>)
      tpu.yield
    }) : () -> ()
    %add3A_4 = arith.constant 0 : i32
    %add3A_5 = arith.addi %mul3A_2, %add3A_4 : i32
    "tpu.region"() ({
      %run_scoped3A_77 = tpu.sem_alloc : memref<!tpu.dma_semaphore, #tpu.memory_space<semaphore_mem>>
      %dma_start3A_78 = arith.constant 0 : i32
      %dma_start3A_79 = tpu.memref_slice %arg4[%add3A_5, %dma_start3A_78] : memref<2560x128xi32, #tpu.memory_space<hbm>> -> memref<80x128xi32, #tpu.memory_space<hbm>>
      %dma_start3A_80 = arith.constant 0 : i32
      %dma_start3A_81 = tpu.memref_slice %arg4[%add3A_5, %dma_start3A_80] : memref<2560x128xi32, #tpu.memory_space<hbm>> -> memref<80x128xi32, #tpu.memory_space<hbm>>
      tpu.enqueue_dma source(%dma_start3A_81 : memref<80x128xi32, #tpu.memory_space<hbm>>) target(%arg8 : memref<80x128xi32, #tpu.memory_space<vmem>>) target_semaphore(%run_scoped3A_77 : memref<!tpu.dma_semaphore, #tpu.memory_space<semaphore_mem>>)
      %dma_wait3A_82 = arith.constant 0 : i32
      %dma_wait3A_83 = tpu.memref_slice %arg4[%add3A_5, %dma_wait3A_82] : memref<2560x128xi32, #tpu.memory_space<hbm>> -> memref<80x128xi32, #tpu.memory_space<hbm>>
      %dma_wait3A_84 = arith.constant 0 : i32
      %dma_wait3A_85 = tpu.memref_slice %arg4[%add3A_5, %dma_wait3A_84] : memref<2560x128xi32, #tpu.memory_space<hbm>> -> memref<80x128xi32, #tpu.memory_space<hbm>>
      tpu.wait_dma2 semaphore(%run_scoped3A_77 : memref<!tpu.dma_semaphore, #tpu.memory_space<semaphore_mem>>) src(%dma_wait3A_85 : memref<80x128xi32, #tpu.memory_space<hbm>>) dst(%arg8 : memref<80x128xi32, #tpu.memory_space<vmem>>)
      tpu.yield
    }) : () -> ()
    %dma_start3A = arith.constant 0 : i32
    %dma_start3A_6 = arith.constant 0 : i32
    %dma_start3A_7 = tpu.memref_slice %arg13[%dma_start3A, %dma_start3A_6] : memref<80x128xi32, #tpu.memory_space<vmem>> -> memref<1x128xi32, #tpu.memory_space<vmem>>
    %dma_start3A_8 = tpu.memref_squeeze %dma_start3A_7 : memref<1x128xi32, #tpu.memory_space<vmem>> -> memref<128xi32, #tpu.memory_space<vmem>>
    %dma_start3A_9 = arith.constant 0 : i32
    %dma_start3A_10 = arith.constant 0 : i32
    %dma_start3A_11 = tpu.memref_slice %arg14[%dma_start3A_9, %dma_start3A_10] : memref<10240x64xf32, #tpu.memory_space<vmem_shared>> -> memref<10240x64xf32, #tpu.memory_space<vmem_shared>>
    tpu.enqueue_indirect_dma source(%dma_start3A_11 : memref<10240x64xf32, #tpu.memory_space<vmem_shared>>) target(%arg9 : memref<128x64xf32, #tpu.memory_space<vmem>>) offsets(%dma_start3A_8 : memref<128xi32, #tpu.memory_space<vmem>>) semaphore(%arg11 : memref<!tpu.dma_semaphore, #tpu.memory_space<semaphore_mem>>)
    %scan3A = arith.constant 0 : i32
    %scan3A_12 = arith.constant 39 : i32
    %scan3A_13 = arith.addi %scan3A, %scan3A_12 : i32
    %scan3A_14 = arith.constant 1 : i32
    scf.for %scan3A_77 = %scan3A to %scan3A_13 step %scan3A_14  : i32 {
      %mul3A_78 = arith.constant 1 : i32
      %mul3A_79 = arith.muli %scan3A_77, %mul3A_78 : i32
      %add3A_80 = arith.constant 0 : i32
      %add3A_81 = arith.addi %add3A_80, %mul3A_79 : i32
      %mul3A_82 = arith.constant 2 : i32
      %mul3A_83 = arith.muli %mul3A_82, %add3A_81 : i32
      %dma_wait3A_84 = arith.constant 0 : i32
      %dma_wait3A_85 = tpu.memref_slice %arg13[%mul3A_83, %dma_wait3A_84] : memref<80x128xi32, #tpu.memory_space<vmem>> -> memref<1x128xi32, #tpu.memory_space<vmem>>
      %dma_wait3A_86 = tpu.memref_squeeze %dma_wait3A_85 : memref<1x128xi32, #tpu.memory_space<vmem>> -> memref<128xi32, #tpu.memory_space<vmem>>
      %dma_wait3A_87 = arith.constant 0 : i32
      %dma_wait3A_88 = arith.constant 0 : i32
      %dma_wait3A_89 = tpu.memref_slice %arg14[%dma_wait3A_87, %dma_wait3A_88] : memref<10240x64xf32, #tpu.memory_space<vmem_shared>> -> memref<10240x64xf32, #tpu.memory_space<vmem_shared>>
      tpu.wait_indirect_dma semaphore(%arg11 : memref<!tpu.dma_semaphore, #tpu.memory_space<semaphore_mem>>) src(%dma_wait3A_89 : memref<10240x64xf32, #tpu.memory_space<vmem_shared>>) dst(%arg9 : memref<128x64xf32, #tpu.memory_space<vmem>>)
      %add3A_90 = arith.constant 1 : i32
      %add3A_91 = arith.addi %mul3A_83, %add3A_90 : i32
      %dma_start3A_92 = arith.constant 0 : i32
      %dma_start3A_93 = tpu.memref_slice %arg13[%add3A_91, %dma_start3A_92] : memref<80x128xi32, #tpu.memory_space<vmem>> -> memref<1x128xi32, #tpu.memory_space<vmem>>
      %dma_start3A_94 = tpu.memref_squeeze %dma_start3A_93 : memref<1x128xi32, #tpu.memory_space<vmem>> -> memref<128xi32, #tpu.memory_space<vmem>>
      %dma_start3A_95 = arith.constant 0 : i32
      %dma_start3A_96 = arith.constant 0 : i32
      %dma_start3A_97 = tpu.memref_slice %arg14[%dma_start3A_95, %dma_start3A_96] : memref<10240x64xf32, #tpu.memory_space<vmem_shared>> -> memref<10240x64xf32, #tpu.memory_space<vmem_shared>>
      tpu.enqueue_indirect_dma source(%dma_start3A_97 : memref<10240x64xf32, #tpu.memory_space<vmem_shared>>) target(%arg10 : memref<128x64xf32, #tpu.memory_space<vmem>>) offsets(%dma_start3A_94 : memref<128xi32, #tpu.memory_space<vmem>>) semaphore(%arg12 : memref<!tpu.dma_semaphore, #tpu.memory_space<semaphore_mem>>)
      "tpu.region"() ({
        %run_scoped3A_116 = tpu.sem_alloc : memref<!tpu.dma_semaphore, #tpu.memory_space<semaphore_mem>>
        %dma_start3A_117 = arith.constant 0 : i32
        %dma_start3A_118 = tpu.memref_slice %arg8[%mul3A_83, %dma_start3A_117] : memref<80x128xi32, #tpu.memory_space<vmem>> -> memref<1x128xi32, #tpu.memory_space<vmem>>
        %dma_start3A_119 = tpu.memref_squeeze %dma_start3A_118 : memref<1x128xi32, #tpu.memory_space<vmem>> -> memref<128xi32, #tpu.memory_space<vmem>>
        %dma_start3A_120 = arith.constant 0 : i32
        %dma_start3A_121 = arith.constant 0 : i32
        %dma_start3A_122 = tpu.memref_slice %arg7[%dma_start3A_120, %dma_start3A_121] : memref<10240x64xf32, #tpu.memory_space<vmem_shared>> -> memref<10240x64xf32, #tpu.memory_space<vmem_shared>>
        tpu.enqueue_indirect_dma source(%arg9 : memref<128x64xf32, #tpu.memory_space<vmem>>) target(%dma_start3A_122 : memref<10240x64xf32, #tpu.memory_space<vmem_shared>>) offsets(%dma_start3A_119 : memref<128xi32, #tpu.memory_space<vmem>>) semaphore(%run_scoped3A_116 : memref<!tpu.dma_semaphore, #tpu.memory_space<semaphore_mem>>) {add = true}
        %dma_wait3A_123 = arith.constant 0 : i32
        %dma_wait3A_124 = tpu.memref_slice %arg8[%mul3A_83, %dma_wait3A_123] : memref<80x128xi32, #tpu.memory_space<vmem>> -> memref<1x128xi32, #tpu.memory_space<vmem>>
        %dma_wait3A_125 = tpu.memref_squeeze %dma_wait3A_124 : memref<1x128xi32, #tpu.memory_space<vmem>> -> memref<128xi32, #tpu.memory_space<vmem>>
        %dma_wait3A_126 = arith.constant 0 : i32
        %dma_wait3A_127 = arith.constant 0 : i32
        %dma_wait3A_128 = tpu.memref_slice %arg7[%dma_wait3A_126, %dma_wait3A_127] : memref<10240x64xf32, #tpu.memory_space<vmem_shared>> -> memref<10240x64xf32, #tpu.memory_space<vmem_shared>>
        tpu.wait_indirect_dma semaphore(%run_scoped3A_116 : memref<!tpu.dma_semaphore, #tpu.memory_space<semaphore_mem>>) src(%arg9 : memref<128x64xf32, #tpu.memory_space<vmem>>) dst(%dma_wait3A_128 : memref<10240x64xf32, #tpu.memory_space<vmem_shared>>)
        tpu.yield
      }) : () -> ()
      %add3A_98 = arith.constant 1 : i32
      %add3A_99 = arith.addi %mul3A_83, %add3A_98 : i32
      %dma_wait3A_100 = arith.constant 0 : i32
      %dma_wait3A_101 = tpu.memref_slice %arg13[%add3A_99, %dma_wait3A_100] : memref<80x128xi32, #tpu.memory_space<vmem>> -> memref<1x128xi32, #tpu.memory_space<vmem>>
      %dma_wait3A_102 = tpu.memref_squeeze %dma_wait3A_101 : memref<1x128xi32, #tpu.memory_space<vmem>> -> memref<128xi32, #tpu.memory_space<vmem>>
      %dma_wait3A_103 = arith.constant 0 : i32
      %dma_wait3A_104 = arith.constant 0 : i32
      %dma_wait3A_105 = tpu.memref_slice %arg14[%dma_wait3A_103, %dma_wait3A_104] : memref<10240x64xf32, #tpu.memory_space<vmem_shared>> -> memref<10240x64xf32, #tpu.memory_space<vmem_shared>>
      tpu.wait_indirect_dma semaphore(%arg12 : memref<!tpu.dma_semaphore, #tpu.memory_space<semaphore_mem>>) src(%dma_wait3A_105 : memref<10240x64xf32, #tpu.memory_space<vmem_shared>>) dst(%arg10 : memref<128x64xf32, #tpu.memory_space<vmem>>)
      %add3A_106 = arith.constant 2 : i32
      %add3A_107 = arith.addi %mul3A_83, %add3A_106 : i32
      %dma_start3A_108 = arith.constant 0 : i32
      %dma_start3A_109 = tpu.memref_slice %arg13[%add3A_107, %dma_start3A_108] : memref<80x128xi32, #tpu.memory_space<vmem>> -> memref<1x128xi32, #tpu.memory_space<vmem>>
      %dma_start3A_110 = tpu.memref_squeeze %dma_start3A_109 : memref<1x128xi32, #tpu.memory_space<vmem>> -> memref<128xi32, #tpu.memory_space<vmem>>
      %dma_start3A_111 = arith.constant 0 : i32
      %dma_start3A_112 = arith.constant 0 : i32
      %dma_start3A_113 = tpu.memref_slice %arg14[%dma_start3A_111, %dma_start3A_112] : memref<10240x64xf32, #tpu.memory_space<vmem_shared>> -> memref<10240x64xf32, #tpu.memory_space<vmem_shared>>
      tpu.enqueue_indirect_dma source(%dma_start3A_113 : memref<10240x64xf32, #tpu.memory_space<vmem_shared>>) target(%arg9 : memref<128x64xf32, #tpu.memory_space<vmem>>) offsets(%dma_start3A_110 : memref<128xi32, #tpu.memory_space<vmem>>) semaphore(%arg11 : memref<!tpu.dma_semaphore, #tpu.memory_space<semaphore_mem>>)
      %add3A_114 = arith.constant 1 : i32
      %add3A_115 = arith.addi %mul3A_83, %add3A_114 : i32
      "tpu.region"() ({
        %run_scoped3A_116 = tpu.sem_alloc : memref<!tpu.dma_semaphore, #tpu.memory_space<semaphore_mem>>
        %dma_start3A_117 = arith.constant 0 : i32
        %dma_start3A_118 = tpu.memref_slice %arg8[%add3A_115, %dma_start3A_117] : memref<80x128xi32, #tpu.memory_space<vmem>> -> memref<1x128xi32, #tpu.memory_space<vmem>>
        %dma_start3A_119 = tpu.memref_squeeze %dma_start3A_118 : memref<1x128xi32, #tpu.memory_space<vmem>> -> memref<128xi32, #tpu.memory_space<vmem>>
        %dma_start3A_120 = arith.constant 0 : i32
        %dma_start3A_121 = arith.constant 0 : i32
        %dma_start3A_122 = tpu.memref_slice %arg7[%dma_start3A_120, %dma_start3A_121] : memref<10240x64xf32, #tpu.memory_space<vmem_shared>> -> memref<10240x64xf32, #tpu.memory_space<vmem_shared>>
        tpu.enqueue_indirect_dma source(%arg10 : memref<128x64xf32, #tpu.memory_space<vmem>>) target(%dma_start3A_122 : memref<10240x64xf32, #tpu.memory_space<vmem_shared>>) offsets(%dma_start3A_119 : memref<128xi32, #tpu.memory_space<vmem>>) semaphore(%run_scoped3A_116 : memref<!tpu.dma_semaphore, #tpu.memory_space<semaphore_mem>>) {add = true}
        %dma_wait3A_123 = arith.constant 0 : i32
        %dma_wait3A_124 = tpu.memref_slice %arg8[%add3A_115, %dma_wait3A_123] : memref<80x128xi32, #tpu.memory_space<vmem>> -> memref<1x128xi32, #tpu.memory_space<vmem>>
        %dma_wait3A_125 = tpu.memref_squeeze %dma_wait3A_124 : memref<1x128xi32, #tpu.memory_space<vmem>> -> memref<128xi32, #tpu.memory_space<vmem>>
        %dma_wait3A_126 = arith.constant 0 : i32
        %dma_wait3A_127 = arith.constant 0 : i32
        %dma_wait3A_128 = tpu.memref_slice %arg7[%dma_wait3A_126, %dma_wait3A_127] : memref<10240x64xf32, #tpu.memory_space<vmem_shared>> -> memref<10240x64xf32, #tpu.memory_space<vmem_shared>>
        tpu.wait_indirect_dma semaphore(%run_scoped3A_116 : memref<!tpu.dma_semaphore, #tpu.memory_space<semaphore_mem>>) src(%arg10 : memref<128x64xf32, #tpu.memory_space<vmem>>) dst(%dma_wait3A_128 : memref<10240x64xf32, #tpu.memory_space<vmem_shared>>)
        tpu.yield
      }) : () -> ()
    }
    %scan3A_15 = arith.constant 39 : i32
    %dma_wait3A = arith.constant 78 : i32
    %dma_wait3A_16 = arith.constant 0 : i32
    %dma_wait3A_17 = tpu.memref_slice %arg13[%dma_wait3A, %dma_wait3A_16] : memref<80x128xi32, #tpu.memory_space<vmem>> -> memref<1x128xi32, #tpu.memory_space<vmem>>
    %dma_wait3A_18 = tpu.memref_squeeze %dma_wait3A_17 : memref<1x128xi32, #tpu.memory_space<vmem>> -> memref<128xi32, #tpu.memory_space<vmem>>
    %dma_wait3A_19 = arith.constant 0 : i32
    %dma_wait3A_20 = arith.constant 0 : i32
    %dma_wait3A_21 = tpu.memref_slice %arg14[%dma_wait3A_19, %dma_wait3A_20] : memref<10240x64xf32, #tpu.memory_space<vmem_shared>> -> memref<10240x64xf32, #tpu.memory_space<vmem_shared>>
    tpu.wait_indirect_dma semaphore(%arg11 : memref<!tpu.dma_semaphore, #tpu.memory_space<semaphore_mem>>) src(%dma_wait3A_21 : memref<10240x64xf32, #tpu.memory_space<vmem_shared>>) dst(%arg9 : memref<128x64xf32, #tpu.memory_space<vmem>>)
    %dma_start3A_22 = arith.constant 79 : i32
    %dma_start3A_23 = arith.constant 0 : i32
    %dma_start3A_24 = tpu.memref_slice %arg13[%dma_start3A_22, %dma_start3A_23] : memref<80x128xi32, #tpu.memory_space<vmem>> -> memref<1x128xi32, #tpu.memory_space<vmem>>
    %dma_start3A_25 = tpu.memref_squeeze %dma_start3A_24 : memref<1x128xi32, #tpu.memory_space<vmem>> -> memref<128xi32, #tpu.memory_space<vmem>>
    %dma_start3A_26 = arith.constant 0 : i32
    %dma_start3A_27 = arith.constant 0 : i32
    %dma_start3A_28 = tpu.memref_slice %arg14[%dma_start3A_26, %dma_start3A_27] : memref<10240x64xf32, #tpu.memory_space<vmem_shared>> -> memref<10240x64xf32, #tpu.memory_space<vmem_shared>>
    tpu.enqueue_indirect_dma source(%dma_start3A_28 : memref<10240x64xf32, #tpu.memory_space<vmem_shared>>) target(%arg10 : memref<128x64xf32, #tpu.memory_space<vmem>>) offsets(%dma_start3A_25 : memref<128xi32, #tpu.memory_space<vmem>>) semaphore(%arg12 : memref<!tpu.dma_semaphore, #tpu.memory_space<semaphore_mem>>)
    %run_scoped3A = arith.constant 78 : i32
    "tpu.region"() ({
      %run_scoped3A_77 = tpu.sem_alloc : memref<!tpu.dma_semaphore, #tpu.memory_space<semaphore_mem>>
      %dma_start3A_78 = arith.constant 0 : i32
      %dma_start3A_79 = tpu.memref_slice %arg8[%run_scoped3A, %dma_start3A_78] : memref<80x128xi32, #tpu.memory_space<vmem>> -> memref<1x128xi32, #tpu.memory_space<vmem>>
      %dma_start3A_80 = tpu.memref_squeeze %dma_start3A_79 : memref<1x128xi32, #tpu.memory_space<vmem>> -> memref<128xi32, #tpu.memory_space<vmem>>
      %dma_start3A_81 = arith.constant 0 : i32
      %dma_start3A_82 = arith.constant 0 : i32
      %dma_start3A_83 = tpu.memref_slice %arg7[%dma_start3A_81, %dma_start3A_82] : memref<10240x64xf32, #tpu.memory_space<vmem_shared>> -> memref<10240x64xf32, #tpu.memory_space<vmem_shared>>
      tpu.enqueue_indirect_dma source(%arg9 : memref<128x64xf32, #tpu.memory_space<vmem>>) target(%dma_start3A_83 : memref<10240x64xf32, #tpu.memory_space<vmem_shared>>) offsets(%dma_start3A_80 : memref<128xi32, #tpu.memory_space<vmem>>) semaphore(%run_scoped3A_77 : memref<!tpu.dma_semaphore, #tpu.memory_space<semaphore_mem>>) {add = true}
      %dma_wait3A_84 = arith.constant 0 : i32
      %dma_wait3A_85 = tpu.memref_slice %arg8[%run_scoped3A, %dma_wait3A_84] : memref<80x128xi32, #tpu.memory_space<vmem>> -> memref<1x128xi32, #tpu.memory_space<vmem>>
      %dma_wait3A_86 = tpu.memref_squeeze %dma_wait3A_85 : memref<1x128xi32, #tpu.memory_space<vmem>> -> memref<128xi32, #tpu.memory_space<vmem>>
      %dma_wait3A_87 = arith.constant 0 : i32
      %dma_wait3A_88 = arith.constant 0 : i32
      %dma_wait3A_89 = tpu.memref_slice %arg7[%dma_wait3A_87, %dma_wait3A_88] : memref<10240x64xf32, #tpu.memory_space<vmem_shared>> -> memref<10240x64xf32, #tpu.memory_space<vmem_shared>>
      tpu.wait_indirect_dma semaphore(%run_scoped3A_77 : memref<!tpu.dma_semaphore, #tpu.memory_space<semaphore_mem>>) src(%arg9 : memref<128x64xf32, #tpu.memory_space<vmem>>) dst(%dma_wait3A_89 : memref<10240x64xf32, #tpu.memory_space<vmem_shared>>)
      tpu.yield
    }) : () -> ()
    %dma_wait3A_29 = arith.constant 79 : i32
    %dma_wait3A_30 = arith.constant 0 : i32
    %dma_wait3A_31 = tpu.memref_slice %arg13[%dma_wait3A_29, %dma_wait3A_30] : memref<80x128xi32, #tpu.memory_space<vmem>> -> memref<1x128xi32, #tpu.memory_space<vmem>>
    %dma_wait3A_32 = tpu.memref_squeeze %dma_wait3A_31 : memref<1x128xi32, #tpu.memory_space<vmem>> -> memref<128xi32, #tpu.memory_space<vmem>>
    %dma_wait3A_33 = arith.constant 0 : i32
    %dma_wait3A_34 = arith.constant 0 : i32
    %dma_wait3A_35 = tpu.memref_slice %arg14[%dma_wait3A_33, %dma_wait3A_34] : memref<10240x64xf32, #tpu.memory_space<vmem_shared>> -> memref<10240x64xf32, #tpu.memory_space<vmem_shared>>
    tpu.wait_indirect_dma semaphore(%arg12 : memref<!tpu.dma_semaphore, #tpu.memory_space<semaphore_mem>>) src(%dma_wait3A_35 : memref<10240x64xf32, #tpu.memory_space<vmem_shared>>) dst(%arg10 : memref<128x64xf32, #tpu.memory_space<vmem>>)
    %run_scoped3A_36 = arith.constant 79 : i32
    "tpu.region"() ({
      %run_scoped3A_77 = tpu.sem_alloc : memref<!tpu.dma_semaphore, #tpu.memory_space<semaphore_mem>>
      %dma_start3A_78 = arith.constant 0 : i32
      %dma_start3A_79 = tpu.memref_slice %arg8[%run_scoped3A_36, %dma_start3A_78] : memref<80x128xi32, #tpu.memory_space<vmem>> -> memref<1x128xi32, #tpu.memory_space<vmem>>
      %dma_start3A_80 = tpu.memref_squeeze %dma_start3A_79 : memref<1x128xi32, #tpu.memory_space<vmem>> -> memref<128xi32, #tpu.memory_space<vmem>>
      %dma_start3A_81 = arith.constant 0 : i32
      %dma_start3A_82 = arith.constant 0 : i32
      %dma_start3A_83 = tpu.memref_slice %arg7[%dma_start3A_81, %dma_start3A_82] : memref<10240x64xf32, #tpu.memory_space<vmem_shared>> -> memref<10240x64xf32, #tpu.memory_space<vmem_shared>>
      tpu.enqueue_indirect_dma source(%arg10 : memref<128x64xf32, #tpu.memory_space<vmem>>) target(%dma_start3A_83 : memref<10240x64xf32, #tpu.memory_space<vmem_shared>>) offsets(%dma_start3A_80 : memref<128xi32, #tpu.memory_space<vmem>>) semaphore(%run_scoped3A_77 : memref<!tpu.dma_semaphore, #tpu.memory_space<semaphore_mem>>) {add = true}
      %dma_wait3A_84 = arith.constant 0 : i32
      %dma_wait3A_85 = tpu.memref_slice %arg8[%run_scoped3A_36, %dma_wait3A_84] : memref<80x128xi32, #tpu.memory_space<vmem>> -> memref<1x128xi32, #tpu.memory_space<vmem>>
      %dma_wait3A_86 = tpu.memref_squeeze %dma_wait3A_85 : memref<1x128xi32, #tpu.memory_space<vmem>> -> memref<128xi32, #tpu.memory_space<vmem>>
      %dma_wait3A_87 = arith.constant 0 : i32
      %dma_wait3A_88 = arith.constant 0 : i32
      %dma_wait3A_89 = tpu.memref_slice %arg7[%dma_wait3A_87, %dma_wait3A_88] : memref<10240x64xf32, #tpu.memory_space<vmem_shared>> -> memref<10240x64xf32, #tpu.memory_space<vmem_shared>>
      tpu.wait_indirect_dma semaphore(%run_scoped3A_77 : memref<!tpu.dma_semaphore, #tpu.memory_space<semaphore_mem>>) src(%arg10 : memref<128x64xf32, #tpu.memory_space<vmem>>) dst(%dma_wait3A_89 : memref<10240x64xf32, #tpu.memory_space<vmem_shared>>)
      tpu.yield
    }) : () -> ()
    %add3A_37 = arith.constant 80 : i32
    %add3A_38 = arith.addi %mul3A_2, %add3A_37 : i32
    "tpu.region"() ({
      %run_scoped3A_77 = tpu.sem_alloc : memref<!tpu.dma_semaphore, #tpu.memory_space<semaphore_mem>>
      %dma_start3A_78 = arith.constant 0 : i32
      %dma_start3A_79 = tpu.memref_slice %arg3[%add3A_38, %dma_start3A_78] : memref<2560x128xi32, #tpu.memory_space<hbm>> -> memref<80x128xi32, #tpu.memory_space<hbm>>
      %dma_start3A_80 = arith.constant 0 : i32
      %dma_start3A_81 = tpu.memref_slice %arg3[%add3A_38, %dma_start3A_80] : memref<2560x128xi32, #tpu.memory_space<hbm>> -> memref<80x128xi32, #tpu.memory_space<hbm>>
      tpu.enqueue_dma source(%dma_start3A_81 : memref<80x128xi32, #tpu.memory_space<hbm>>) target(%arg13 : memref<80x128xi32, #tpu.memory_space<vmem>>) target_semaphore(%run_scoped3A_77 : memref<!tpu.dma_semaphore, #tpu.memory_space<semaphore_mem>>)
      %dma_wait3A_82 = arith.constant 0 : i32
      %dma_wait3A_83 = tpu.memref_slice %arg3[%add3A_38, %dma_wait3A_82] : memref<2560x128xi32, #tpu.memory_space<hbm>> -> memref<80x128xi32, #tpu.memory_space<hbm>>
      %dma_wait3A_84 = arith.constant 0 : i32
      %dma_wait3A_85 = tpu.memref_slice %arg3[%add3A_38, %dma_wait3A_84] : memref<2560x128xi32, #tpu.memory_space<hbm>> -> memref<80x128xi32, #tpu.memory_space<hbm>>
      tpu.wait_dma2 semaphore(%run_scoped3A_77 : memref<!tpu.dma_semaphore, #tpu.memory_space<semaphore_mem>>) src(%dma_wait3A_85 : memref<80x128xi32, #tpu.memory_space<hbm>>) dst(%arg13 : memref<80x128xi32, #tpu.memory_space<vmem>>)
      tpu.yield
    }) : () -> ()
    %add3A_39 = arith.constant 80 : i32
    %add3A_40 = arith.addi %mul3A_2, %add3A_39 : i32
    "tpu.region"() ({
      %run_scoped3A_77 = tpu.sem_alloc : memref<!tpu.dma_semaphore, #tpu.memory_space<semaphore_mem>>
      %dma_start3A_78 = arith.constant 0 : i32
      %dma_start3A_79 = tpu.memref_slice %arg4[%add3A_40, %dma_start3A_78] : memref<2560x128xi32, #tpu.memory_space<hbm>> -> memref<80x128xi32, #tpu.memory_space<hbm>>
      %dma_start3A_80 = arith.constant 0 : i32
      %dma_start3A_81 = tpu.memref_slice %arg4[%add3A_40, %dma_start3A_80] : memref<2560x128xi32, #tpu.memory_space<hbm>> -> memref<80x128xi32, #tpu.memory_space<hbm>>
      tpu.enqueue_dma source(%dma_start3A_81 : memref<80x128xi32, #tpu.memory_space<hbm>>) target(%arg8 : memref<80x128xi32, #tpu.memory_space<vmem>>) target_semaphore(%run_scoped3A_77 : memref<!tpu.dma_semaphore, #tpu.memory_space<semaphore_mem>>)
      %dma_wait3A_82 = arith.constant 0 : i32
      %dma_wait3A_83 = tpu.memref_slice %arg4[%add3A_40, %dma_wait3A_82] : memref<2560x128xi32, #tpu.memory_space<hbm>> -> memref<80x128xi32, #tpu.memory_space<hbm>>
      %dma_wait3A_84 = arith.constant 0 : i32
      %dma_wait3A_85 = tpu.memref_slice %arg4[%add3A_40, %dma_wait3A_84] : memref<2560x128xi32, #tpu.memory_space<hbm>> -> memref<80x128xi32, #tpu.memory_space<hbm>>
      tpu.wait_dma2 semaphore(%run_scoped3A_77 : memref<!tpu.dma_semaphore, #tpu.memory_space<semaphore_mem>>) src(%dma_wait3A_85 : memref<80x128xi32, #tpu.memory_space<hbm>>) dst(%arg8 : memref<80x128xi32, #tpu.memory_space<vmem>>)
      tpu.yield
    }) : () -> ()
    %dma_start3A_41 = arith.constant 0 : i32
    %dma_start3A_42 = arith.constant 0 : i32
    %dma_start3A_43 = tpu.memref_slice %arg13[%dma_start3A_41, %dma_start3A_42] : memref<80x128xi32, #tpu.memory_space<vmem>> -> memref<1x128xi32, #tpu.memory_space<vmem>>
    %dma_start3A_44 = tpu.memref_squeeze %dma_start3A_43 : memref<1x128xi32, #tpu.memory_space<vmem>> -> memref<128xi32, #tpu.memory_space<vmem>>
    %dma_start3A_45 = arith.constant 0 : i32
    %dma_start3A_46 = arith.constant 0 : i32
    %dma_start3A_47 = tpu.memref_slice %arg14[%dma_start3A_45, %dma_start3A_46] : memref<10240x64xf32, #tpu.memory_space<vmem_shared>> -> memref<10240x64xf32, #tpu.memory_space<vmem_shared>>
    tpu.enqueue_indirect_dma source(%dma_start3A_47 : memref<10240x64xf32, #tpu.memory_space<vmem_shared>>) target(%arg9 : memref<128x64xf32, #tpu.memory_space<vmem>>) offsets(%dma_start3A_44 : memref<128xi32, #tpu.memory_space<vmem>>) semaphore(%arg11 : memref<!tpu.dma_semaphore, #tpu.memory_space<semaphore_mem>>)
    %scan3A_48 = arith.constant 0 : i32
    %scan3A_49 = arith.constant 39 : i32
    %scan3A_50 = arith.addi %scan3A_48, %scan3A_49 : i32
    %scan3A_51 = arith.constant 1 : i32
    scf.for %scan3A_77 = %scan3A_48 to %scan3A_50 step %scan3A_51  : i32 {
      %mul3A_78 = arith.constant 1 : i32
      %mul3A_79 = arith.muli %scan3A_77, %mul3A_78 : i32
      %add3A_80 = arith.constant 0 : i32
      %add3A_81 = arith.addi %add3A_80, %mul3A_79 : i32
      %mul3A_82 = arith.constant 2 : i32
      %mul3A_83 = arith.muli %mul3A_82, %add3A_81 : i32
      %dma_wait3A_84 = arith.constant 0 : i32
      %dma_wait3A_85 = tpu.memref_slice %arg13[%mul3A_83, %dma_wait3A_84] : memref<80x128xi32, #tpu.memory_space<vmem>> -> memref<1x128xi32, #tpu.memory_space<vmem>>
      %dma_wait3A_86 = tpu.memref_squeeze %dma_wait3A_85 : memref<1x128xi32, #tpu.memory_space<vmem>> -> memref<128xi32, #tpu.memory_space<vmem>>
      %dma_wait3A_87 = arith.constant 0 : i32
      %dma_wait3A_88 = arith.constant 0 : i32
      %dma_wait3A_89 = tpu.memref_slice %arg14[%dma_wait3A_87, %dma_wait3A_88] : memref<10240x64xf32, #tpu.memory_space<vmem_shared>> -> memref<10240x64xf32, #tpu.memory_space<vmem_shared>>
      tpu.wait_indirect_dma semaphore(%arg11 : memref<!tpu.dma_semaphore, #tpu.memory_space<semaphore_mem>>) src(%dma_wait3A_89 : memref<10240x64xf32, #tpu.memory_space<vmem_shared>>) dst(%arg9 : memref<128x64xf32, #tpu.memory_space<vmem>>)
      %add3A_90 = arith.constant 1 : i32
      %add3A_91 = arith.addi %mul3A_83, %add3A_90 : i32
      %dma_start3A_92 = arith.constant 0 : i32
      %dma_start3A_93 = tpu.memref_slice %arg13[%add3A_91, %dma_start3A_92] : memref<80x128xi32, #tpu.memory_space<vmem>> -> memref<1x128xi32, #tpu.memory_space<vmem>>
      %dma_start3A_94 = tpu.memref_squeeze %dma_start3A_93 : memref<1x128xi32, #tpu.memory_space<vmem>> -> memref<128xi32, #tpu.memory_space<vmem>>
      %dma_start3A_95 = arith.constant 0 : i32
      %dma_start3A_96 = arith.constant 0 : i32
      %dma_start3A_97 = tpu.memref_slice %arg14[%dma_start3A_95, %dma_start3A_96] : memref<10240x64xf32, #tpu.memory_space<vmem_shared>> -> memref<10240x64xf32, #tpu.memory_space<vmem_shared>>
      tpu.enqueue_indirect_dma source(%dma_start3A_97 : memref<10240x64xf32, #tpu.memory_space<vmem_shared>>) target(%arg10 : memref<128x64xf32, #tpu.memory_space<vmem>>) offsets(%dma_start3A_94 : memref<128xi32, #tpu.memory_space<vmem>>) semaphore(%arg12 : memref<!tpu.dma_semaphore, #tpu.memory_space<semaphore_mem>>)
      "tpu.region"() ({
        %run_scoped3A_116 = tpu.sem_alloc : memref<!tpu.dma_semaphore, #tpu.memory_space<semaphore_mem>>
        %dma_start3A_117 = arith.constant 0 : i32
        %dma_start3A_118 = tpu.memref_slice %arg8[%mul3A_83, %dma_start3A_117] : memref<80x128xi32, #tpu.memory_space<vmem>> -> memref<1x128xi32, #tpu.memory_space<vmem>>
        %dma_start3A_119 = tpu.memref_squeeze %dma_start3A_118 : memref<1x128xi32, #tpu.memory_space<vmem>> -> memref<128xi32, #tpu.memory_space<vmem>>
        %dma_start3A_120 = arith.constant 0 : i32
        %dma_start3A_121 = arith.constant 0 : i32
        %dma_start3A_122 = tpu.memref_slice %arg7[%dma_start3A_120, %dma_start3A_121] : memref<10240x64xf32, #tpu.memory_space<vmem_shared>> -> memref<10240x64xf32, #tpu.memory_space<vmem_shared>>
        tpu.enqueue_indirect_dma source(%arg9 : memref<128x64xf32, #tpu.memory_space<vmem>>) target(%dma_start3A_122 : memref<10240x64xf32, #tpu.memory_space<vmem_shared>>) offsets(%dma_start3A_119 : memref<128xi32, #tpu.memory_space<vmem>>) semaphore(%run_scoped3A_116 : memref<!tpu.dma_semaphore, #tpu.memory_space<semaphore_mem>>) {add = true}
        %dma_wait3A_123 = arith.constant 0 : i32
        %dma_wait3A_124 = tpu.memref_slice %arg8[%mul3A_83, %dma_wait3A_123] : memref<80x128xi32, #tpu.memory_space<vmem>> -> memref<1x128xi32, #tpu.memory_space<vmem>>
        %dma_wait3A_125 = tpu.memref_squeeze %dma_wait3A_124 : memref<1x128xi32, #tpu.memory_space<vmem>> -> memref<128xi32, #tpu.memory_space<vmem>>
        %dma_wait3A_126 = arith.constant 0 : i32
        %dma_wait3A_127 = arith.constant 0 : i32
        %dma_wait3A_128 = tpu.memref_slice %arg7[%dma_wait3A_126, %dma_wait3A_127] : memref<10240x64xf32, #tpu.memory_space<vmem_shared>> -> memref<10240x64xf32, #tpu.memory_space<vmem_shared>>
        tpu.wait_indirect_dma semaphore(%run_scoped3A_116 : memref<!tpu.dma_semaphore, #tpu.memory_space<semaphore_mem>>) src(%arg9 : memref<128x64xf32, #tpu.memory_space<vmem>>) dst(%dma_wait3A_128 : memref<10240x64xf32, #tpu.memory_space<vmem_shared>>)
        tpu.yield
      }) : () -> ()
      %add3A_98 = arith.constant 1 : i32
      %add3A_99 = arith.addi %mul3A_83, %add3A_98 : i32
      %dma_wait3A_100 = arith.constant 0 : i32
      %dma_wait3A_101 = tpu.memref_slice %arg13[%add3A_99, %dma_wait3A_100] : memref<80x128xi32, #tpu.memory_space<vmem>> -> memref<1x128xi32, #tpu.memory_space<vmem>>
      %dma_wait3A_102 = tpu.memref_squeeze %dma_wait3A_101 : memref<1x128xi32, #tpu.memory_space<vmem>> -> memref<128xi32, #tpu.memory_space<vmem>>
      %dma_wait3A_103 = arith.constant 0 : i32
      %dma_wait3A_104 = arith.constant 0 : i32
      %dma_wait3A_105 = tpu.memref_slice %arg14[%dma_wait3A_103, %dma_wait3A_104] : memref<10240x64xf32, #tpu.memory_space<vmem_shared>> -> memref<10240x64xf32, #tpu.memory_space<vmem_shared>>
      tpu.wait_indirect_dma semaphore(%arg12 : memref<!tpu.dma_semaphore, #tpu.memory_space<semaphore_mem>>) src(%dma_wait3A_105 : memref<10240x64xf32, #tpu.memory_space<vmem_shared>>) dst(%arg10 : memref<128x64xf32, #tpu.memory_space<vmem>>)
      %add3A_106 = arith.constant 2 : i32
      %add3A_107 = arith.addi %mul3A_83, %add3A_106 : i32
      %dma_start3A_108 = arith.constant 0 : i32
      %dma_start3A_109 = tpu.memref_slice %arg13[%add3A_107, %dma_start3A_108] : memref<80x128xi32, #tpu.memory_space<vmem>> -> memref<1x128xi32, #tpu.memory_space<vmem>>
      %dma_start3A_110 = tpu.memref_squeeze %dma_start3A_109 : memref<1x128xi32, #tpu.memory_space<vmem>> -> memref<128xi32, #tpu.memory_space<vmem>>
      %dma_start3A_111 = arith.constant 0 : i32
      %dma_start3A_112 = arith.constant 0 : i32
      %dma_start3A_113 = tpu.memref_slice %arg14[%dma_start3A_111, %dma_start3A_112] : memref<10240x64xf32, #tpu.memory_space<vmem_shared>> -> memref<10240x64xf32, #tpu.memory_space<vmem_shared>>
      tpu.enqueue_indirect_dma source(%dma_start3A_113 : memref<10240x64xf32, #tpu.memory_space<vmem_shared>>) target(%arg9 : memref<128x64xf32, #tpu.memory_space<vmem>>) offsets(%dma_start3A_110 : memref<128xi32, #tpu.memory_space<vmem>>) semaphore(%arg11 : memref<!tpu.dma_semaphore, #tpu.memory_space<semaphore_mem>>)
      %add3A_114 = arith.constant 1 : i32
      %add3A_115 = arith.addi %mul3A_83, %add3A_114 : i32
      "tpu.region"() ({
        %run_scoped3A_116 = tpu.sem_alloc : memref<!tpu.dma_semaphore, #tpu.memory_space<semaphore_mem>>
        %dma_start3A_117 = arith.constant 0 : i32
        %dma_start3A_118 = tpu.memref_slice %arg8[%add3A_115, %dma_start3A_117] : memref<80x128xi32, #tpu.memory_space<vmem>> -> memref<1x128xi32, #tpu.memory_space<vmem>>
        %dma_start3A_119 = tpu.memref_squeeze %dma_start3A_118 : memref<1x128xi32, #tpu.memory_space<vmem>> -> memref<128xi32, #tpu.memory_space<vmem>>
        %dma_start3A_120 = arith.constant 0 : i32
        %dma_start3A_121 = arith.constant 0 : i32
        %dma_start3A_122 = tpu.memref_slice %arg7[%dma_start3A_120, %dma_start3A_121] : memref<10240x64xf32, #tpu.memory_space<vmem_shared>> -> memref<10240x64xf32, #tpu.memory_space<vmem_shared>>
        tpu.enqueue_indirect_dma source(%arg10 : memref<128x64xf32, #tpu.memory_space<vmem>>) target(%dma_start3A_122 : memref<10240x64xf32, #tpu.memory_space<vmem_shared>>) offsets(%dma_start3A_119 : memref<128xi32, #tpu.memory_space<vmem>>) semaphore(%run_scoped3A_116 : memref<!tpu.dma_semaphore, #tpu.memory_space<semaphore_mem>>) {add = true}
        %dma_wait3A_123 = arith.constant 0 : i32
        %dma_wait3A_124 = tpu.memref_slice %arg8[%add3A_115, %dma_wait3A_123] : memref<80x128xi32, #tpu.memory_space<vmem>> -> memref<1x128xi32, #tpu.memory_space<vmem>>
        %dma_wait3A_125 = tpu.memref_squeeze %dma_wait3A_124 : memref<1x128xi32, #tpu.memory_space<vmem>> -> memref<128xi32, #tpu.memory_space<vmem>>
        %dma_wait3A_126 = arith.constant 0 : i32
        %dma_wait3A_127 = arith.constant 0 : i32
        %dma_wait3A_128 = tpu.memref_slice %arg7[%dma_wait3A_126, %dma_wait3A_127] : memref<10240x64xf32, #tpu.memory_space<vmem_shared>> -> memref<10240x64xf32, #tpu.memory_space<vmem_shared>>
        tpu.wait_indirect_dma semaphore(%run_scoped3A_116 : memref<!tpu.dma_semaphore, #tpu.memory_space<semaphore_mem>>) src(%arg10 : memref<128x64xf32, #tpu.memory_space<vmem>>) dst(%dma_wait3A_128 : memref<10240x64xf32, #tpu.memory_space<vmem_shared>>)
        tpu.yield
      }) : () -> ()
    }
    %scan3A_52 = arith.constant 39 : i32
    %dma_wait3A_53 = arith.constant 78 : i32
    %dma_wait3A_54 = arith.constant 0 : i32
    %dma_wait3A_55 = tpu.memref_slice %arg13[%dma_wait3A_53, %dma_wait3A_54] : memref<80x128xi32, #tpu.memory_space<vmem>> -> memref<1x128xi32, #tpu.memory_space<vmem>>
    %dma_wait3A_56 = tpu.memref_squeeze %dma_wait3A_55 : memref<1x128xi32, #tpu.memory_space<vmem>> -> memref<128xi32, #tpu.memory_space<vmem>>
    %dma_wait3A_57 = arith.constant 0 : i32
    %dma_wait3A_58 = arith.constant 0 : i32
    %dma_wait3A_59 = tpu.memref_slice %arg14[%dma_wait3A_57, %dma_wait3A_58] : memref<10240x64xf32, #tpu.memory_space<vmem_shared>> -> memref<10240x64xf32, #tpu.memory_space<vmem_shared>>
    tpu.wait_indirect_dma semaphore(%arg11 : memref<!tpu.dma_semaphore, #tpu.memory_space<semaphore_mem>>) src(%dma_wait3A_59 : memref<10240x64xf32, #tpu.memory_space<vmem_shared>>) dst(%arg9 : memref<128x64xf32, #tpu.memory_space<vmem>>)
    %dma_start3A_60 = arith.constant 79 : i32
    %dma_start3A_61 = arith.constant 0 : i32
    %dma_start3A_62 = tpu.memref_slice %arg13[%dma_start3A_60, %dma_start3A_61] : memref<80x128xi32, #tpu.memory_space<vmem>> -> memref<1x128xi32, #tpu.memory_space<vmem>>
    %dma_start3A_63 = tpu.memref_squeeze %dma_start3A_62 : memref<1x128xi32, #tpu.memory_space<vmem>> -> memref<128xi32, #tpu.memory_space<vmem>>
    %dma_start3A_64 = arith.constant 0 : i32
    %dma_start3A_65 = arith.constant 0 : i32
    %dma_start3A_66 = tpu.memref_slice %arg14[%dma_start3A_64, %dma_start3A_65] : memref<10240x64xf32, #tpu.memory_space<vmem_shared>> -> memref<10240x64xf32, #tpu.memory_space<vmem_shared>>
    tpu.enqueue_indirect_dma source(%dma_start3A_66 : memref<10240x64xf32, #tpu.memory_space<vmem_shared>>) target(%arg10 : memref<128x64xf32, #tpu.memory_space<vmem>>) offsets(%dma_start3A_63 : memref<128xi32, #tpu.memory_space<vmem>>) semaphore(%arg12 : memref<!tpu.dma_semaphore, #tpu.memory_space<semaphore_mem>>)
    %run_scoped3A_67 = arith.constant 78 : i32
    "tpu.region"() ({
      %run_scoped3A_77 = tpu.sem_alloc : memref<!tpu.dma_semaphore, #tpu.memory_space<semaphore_mem>>
      %dma_start3A_78 = arith.constant 0 : i32
      %dma_start3A_79 = tpu.memref_slice %arg8[%run_scoped3A_67, %dma_start3A_78] : memref<80x128xi32, #tpu.memory_space<vmem>> -> memref<1x128xi32, #tpu.memory_space<vmem>>
      %dma_start3A_80 = tpu.memref_squeeze %dma_start3A_79 : memref<1x128xi32, #tpu.memory_space<vmem>> -> memref<128xi32, #tpu.memory_space<vmem>>
      %dma_start3A_81 = arith.constant 0 : i32
      %dma_start3A_82 = arith.constant 0 : i32
      %dma_start3A_83 = tpu.memref_slice %arg7[%dma_start3A_81, %dma_start3A_82] : memref<10240x64xf32, #tpu.memory_space<vmem_shared>> -> memref<10240x64xf32, #tpu.memory_space<vmem_shared>>
      tpu.enqueue_indirect_dma source(%arg9 : memref<128x64xf32, #tpu.memory_space<vmem>>) target(%dma_start3A_83 : memref<10240x64xf32, #tpu.memory_space<vmem_shared>>) offsets(%dma_start3A_80 : memref<128xi32, #tpu.memory_space<vmem>>) semaphore(%run_scoped3A_77 : memref<!tpu.dma_semaphore, #tpu.memory_space<semaphore_mem>>) {add = true}
      %dma_wait3A_84 = arith.constant 0 : i32
      %dma_wait3A_85 = tpu.memref_slice %arg8[%run_scoped3A_67, %dma_wait3A_84] : memref<80x128xi32, #tpu.memory_space<vmem>> -> memref<1x128xi32, #tpu.memory_space<vmem>>
      %dma_wait3A_86 = tpu.memref_squeeze %dma_wait3A_85 : memref<1x128xi32, #tpu.memory_space<vmem>> -> memref<128xi32, #tpu.memory_space<vmem>>
      %dma_wait3A_87 = arith.constant 0 : i32
      %dma_wait3A_88 = arith.constant 0 : i32
      %dma_wait3A_89 = tpu.memref_slice %arg7[%dma_wait3A_87, %dma_wait3A_88] : memref<10240x64xf32, #tpu.memory_space<vmem_shared>> -> memref<10240x64xf32, #tpu.memory_space<vmem_shared>>
      tpu.wait_indirect_dma semaphore(%run_scoped3A_77 : memref<!tpu.dma_semaphore, #tpu.memory_space<semaphore_mem>>) src(%arg9 : memref<128x64xf32, #tpu.memory_space<vmem>>) dst(%dma_wait3A_89 : memref<10240x64xf32, #tpu.memory_space<vmem_shared>>)
      tpu.yield
    }) : () -> ()
    %dma_wait3A_68 = arith.constant 79 : i32
    %dma_wait3A_69 = arith.constant 0 : i32
    %dma_wait3A_70 = tpu.memref_slice %arg13[%dma_wait3A_68, %dma_wait3A_69] : memref<80x128xi32, #tpu.memory_space<vmem>> -> memref<1x128xi32, #tpu.memory_space<vmem>>
    %dma_wait3A_71 = tpu.memref_squeeze %dma_wait3A_70 : memref<1x128xi32, #tpu.memory_space<vmem>> -> memref<128xi32, #tpu.memory_space<vmem>>
    %dma_wait3A_72 = arith.constant 0 : i32
    %dma_wait3A_73 = arith.constant 0 : i32
    %dma_wait3A_74 = tpu.memref_slice %arg14[%dma_wait3A_72, %dma_wait3A_73] : memref<10240x64xf32, #tpu.memory_space<vmem_shared>> -> memref<10240x64xf32, #tpu.memory_space<vmem_shared>>
    tpu.wait_indirect_dma semaphore(%arg12 : memref<!tpu.dma_semaphore, #tpu.memory_space<semaphore_mem>>) src(%dma_wait3A_74 : memref<10240x64xf32, #tpu.memory_space<vmem_shared>>) dst(%arg10 : memref<128x64xf32, #tpu.memory_space<vmem>>)
    %run_scoped3A_75 = arith.constant 79 : i32
    "tpu.region"() ({
      %run_scoped3A_77 = tpu.sem_alloc : memref<!tpu.dma_semaphore, #tpu.memory_space<semaphore_mem>>
      %dma_start3A_78 = arith.constant 0 : i32
      %dma_start3A_79 = tpu.memref_slice %arg8[%run_scoped3A_75, %dma_start3A_78] : memref<80x128xi32, #tpu.memory_space<vmem>> -> memref<1x128xi32, #tpu.memory_space<vmem>>
      %dma_start3A_80 = tpu.memref_squeeze %dma_start3A_79 : memref<1x128xi32, #tpu.memory_space<vmem>> -> memref<128xi32, #tpu.memory_space<vmem>>
      %dma_start3A_81 = arith.constant 0 : i32
      %dma_start3A_82 = arith.constant 0 : i32
      %dma_start3A_83 = tpu.memref_slice %arg7[%dma_start3A_81, %dma_start3A_82] : memref<10240x64xf32, #tpu.memory_space<vmem_shared>> -> memref<10240x64xf32, #tpu.memory_space<vmem_shared>>
      tpu.enqueue_indirect_dma source(%arg10 : memref<128x64xf32, #tpu.memory_space<vmem>>) target(%dma_start3A_83 : memref<10240x64xf32, #tpu.memory_space<vmem_shared>>) offsets(%dma_start3A_80 : memref<128xi32, #tpu.memory_space<vmem>>) semaphore(%run_scoped3A_77 : memref<!tpu.dma_semaphore, #tpu.memory_space<semaphore_mem>>) {add = true}
      %dma_wait3A_84 = arith.constant 0 : i32
      %dma_wait3A_85 = tpu.memref_slice %arg8[%run_scoped3A_75, %dma_wait3A_84] : memref<80x128xi32, #tpu.memory_space<vmem>> -> memref<1x128xi32, #tpu.memory_space<vmem>>
      %dma_wait3A_86 = tpu.memref_squeeze %dma_wait3A_85 : memref<1x128xi32, #tpu.memory_space<vmem>> -> memref<128xi32, #tpu.memory_space<vmem>>
      %dma_wait3A_87 = arith.constant 0 : i32
      %dma_wait3A_88 = arith.constant 0 : i32
      %dma_wait3A_89 = tpu.memref_slice %arg7[%dma_wait3A_87, %dma_wait3A_88] : memref<10240x64xf32, #tpu.memory_space<vmem_shared>> -> memref<10240x64xf32, #tpu.memory_space<vmem_shared>>
      tpu.wait_indirect_dma semaphore(%run_scoped3A_77 : memref<!tpu.dma_semaphore, #tpu.memory_space<semaphore_mem>>) src(%arg10 : memref<128x64xf32, #tpu.memory_space<vmem>>) dst(%dma_wait3A_89 : memref<10240x64xf32, #tpu.memory_space<vmem_shared>>)
      tpu.yield
    }) : () -> ()
    %barrier3A_76 = arith.constant 0 : index
    tpu.barrier barrier_id(%barrier3A_76)
    "tpu.region"() ({
      %run_scoped3A_77 = tpu.sem_alloc : memref<!tpu.dma_semaphore, #tpu.memory_space<semaphore_mem>>
      %dma_start3A_78 = arith.constant 0 : i32
      %dma_start3A_79 = tpu.memref_slice %arg6[%arg0, %mul3A_0, %dma_start3A_78] : memref<2x10240x64xf32, #tpu.memory_space<hbm>> -> memref<1x640x64xf32, #tpu.memory_space<hbm>>
      %dma_start3A_80 = tpu.memref_squeeze %dma_start3A_79 : memref<1x640x64xf32, #tpu.memory_space<hbm>> -> memref<640x64xf32, #tpu.memory_space<hbm>>
      %dma_start3A_81 = arith.constant 0 : i32
      %dma_start3A_82 = tpu.memref_slice %arg7[%mul3A_0, %dma_start3A_81] : memref<10240x64xf32, #tpu.memory_space<vmem_shared>> -> memref<640x64xf32, #tpu.memory_space<vmem_shared>>
      tpu.enqueue_dma source(%dma_start3A_82 : memref<640x64xf32, #tpu.memory_space<vmem_shared>>) target(%dma_start3A_80 : memref<640x64xf32, #tpu.memory_space<hbm>>) target_semaphore(%run_scoped3A_77 : memref<!tpu.dma_semaphore, #tpu.memory_space<semaphore_mem>>)
      %dma_wait3A_83 = arith.constant 0 : i32
      %dma_wait3A_84 = tpu.memref_slice %arg6[%arg0, %mul3A_0, %dma_wait3A_83] : memref<2x10240x64xf32, #tpu.memory_space<hbm>> -> memref<1x640x64xf32, #tpu.memory_space<hbm>>
      %dma_wait3A_85 = tpu.memref_squeeze %dma_wait3A_84 : memref<1x640x64xf32, #tpu.memory_space<hbm>> -> memref<640x64xf32, #tpu.memory_space<hbm>>
      %dma_wait3A_86 = arith.constant 0 : i32
      %dma_wait3A_87 = tpu.memref_slice %arg7[%mul3A_0, %dma_wait3A_86] : memref<10240x64xf32, #tpu.memory_space<vmem_shared>> -> memref<640x64xf32, #tpu.memory_space<vmem_shared>>
      tpu.wait_dma2 semaphore(%run_scoped3A_77 : memref<!tpu.dma_semaphore, #tpu.memory_space<semaphore_mem>>) src(%dma_wait3A_87 : memref<640x64xf32, #tpu.memory_space<vmem_shared>>) dst(%dma_wait3A_85 : memref<640x64xf32, #tpu.memory_space<hbm>>)
      tpu.yield
    }) : () -> ()
    return
  }
}

#map = affine_map<(d0, d1) -> (0, 0)>
#map1 = affine_map<(d0, d1) -> (0, 0, 0)>
module attributes {stable_mosaic.version = 14 : i64} {
  func.func @_deg_kernel(%arg0: i32, %arg1: i32, %arg2: memref<2560x128xi32, #tpu.memory_space<hbm>>, %arg3: memref<10240x16xf32, #tpu.memory_space<hbm>>, %arg4: memref<128x16xf32, #tpu.memory_space<hbm>>, %arg5: memref<2x10240x16xf32, #tpu.memory_space<hbm>>, %arg6: memref<10240x16xf32, #tpu.memory_space<vmem_shared>>, %arg7: memref<80x128xi32, #tpu.memory_space<vmem>>, %arg8: memref<128x16xf32, #tpu.memory_space<vmem>>) attributes {dimension_semantics = [#tpu.dimension_semantics<core_parallel>, #tpu.dimension_semantics<subcore_parallel>], iteration_bounds = array<i64: 2, 16>, scalar_prefetch = 0 : i64, scratch_operands = 3 : i64, tpu.core_type = #tpu.core_type<sc_vector_subcore>, window_params = [{transform_indices = #map}, {transform_indices = #map}, {transform_indices = #map}, {transform_indices = #map1}]} {
    "tpu.region"() ({
      %run_scoped3A = tpu.sem_alloc : memref<!tpu.dma_semaphore, #tpu.memory_space<semaphore_mem>>
      tpu.enqueue_dma source(%arg4 : memref<128x16xf32, #tpu.memory_space<hbm>>) target(%arg8 : memref<128x16xf32, #tpu.memory_space<vmem>>) target_semaphore(%run_scoped3A : memref<!tpu.dma_semaphore, #tpu.memory_space<semaphore_mem>>)
      tpu.wait_dma2 semaphore(%run_scoped3A : memref<!tpu.dma_semaphore, #tpu.memory_space<semaphore_mem>>) src(%arg4 : memref<128x16xf32, #tpu.memory_space<hbm>>) dst(%arg8 : memref<128x16xf32, #tpu.memory_space<vmem>>)
      tpu.yield
    }) : () -> ()
    %mul3A = arith.constant 640 : i32
    %mul3A_0 = arith.muli %arg1, %mul3A : i32
    %mul3A_1 = arith.constant 640 : i32
    %mul3A_2 = arith.muli %arg1, %mul3A_1 : i32
    "tpu.region"() ({
      %run_scoped3A = tpu.sem_alloc : memref<!tpu.dma_semaphore, #tpu.memory_space<semaphore_mem>>
      %dma_start3A = arith.constant 0 : i32
      %dma_start3A_16 = tpu.memref_slice %arg6[%mul3A_2, %dma_start3A] : memref<10240x16xf32, #tpu.memory_space<vmem_shared>> -> memref<640x16xf32, #tpu.memory_space<vmem_shared>>
      %dma_start3A_17 = arith.constant 0 : i32
      %dma_start3A_18 = tpu.memref_slice %arg3[%mul3A_0, %dma_start3A_17] : memref<10240x16xf32, #tpu.memory_space<hbm>> -> memref<640x16xf32, #tpu.memory_space<hbm>>
      tpu.enqueue_dma source(%dma_start3A_18 : memref<640x16xf32, #tpu.memory_space<hbm>>) target(%dma_start3A_16 : memref<640x16xf32, #tpu.memory_space<vmem_shared>>) target_semaphore(%run_scoped3A : memref<!tpu.dma_semaphore, #tpu.memory_space<semaphore_mem>>)
      %dma_wait3A = arith.constant 0 : i32
      %dma_wait3A_19 = tpu.memref_slice %arg6[%mul3A_2, %dma_wait3A] : memref<10240x16xf32, #tpu.memory_space<vmem_shared>> -> memref<640x16xf32, #tpu.memory_space<vmem_shared>>
      %dma_wait3A_20 = arith.constant 0 : i32
      %dma_wait3A_21 = tpu.memref_slice %arg3[%mul3A_0, %dma_wait3A_20] : memref<10240x16xf32, #tpu.memory_space<hbm>> -> memref<640x16xf32, #tpu.memory_space<hbm>>
      tpu.wait_dma2 semaphore(%run_scoped3A : memref<!tpu.dma_semaphore, #tpu.memory_space<semaphore_mem>>) src(%dma_wait3A_21 : memref<640x16xf32, #tpu.memory_space<hbm>>) dst(%dma_wait3A_19 : memref<640x16xf32, #tpu.memory_space<vmem_shared>>)
      tpu.yield
    }) : () -> ()
    %mul3A_3 = arith.constant 2 : i32
    %mul3A_4 = arith.muli %arg1, %mul3A_3 : i32
    %add3A = arith.addi %mul3A_4, %arg0 : i32
    %mul3A_5 = arith.constant 80 : i32
    %mul3A_6 = arith.muli %add3A, %mul3A_5 : i32
    "tpu.region"() ({
      %run_scoped3A = tpu.sem_alloc : memref<!tpu.dma_semaphore, #tpu.memory_space<semaphore_mem>>
      %dma_start3A = arith.constant 0 : i32
      %dma_start3A_16 = tpu.memref_slice %arg2[%mul3A_6, %dma_start3A] : memref<2560x128xi32, #tpu.memory_space<hbm>> -> memref<80x128xi32, #tpu.memory_space<hbm>>
      %dma_start3A_17 = arith.constant 0 : i32
      %dma_start3A_18 = tpu.memref_slice %arg2[%mul3A_6, %dma_start3A_17] : memref<2560x128xi32, #tpu.memory_space<hbm>> -> memref<80x128xi32, #tpu.memory_space<hbm>>
      tpu.enqueue_dma source(%dma_start3A_18 : memref<80x128xi32, #tpu.memory_space<hbm>>) target(%arg7 : memref<80x128xi32, #tpu.memory_space<vmem>>) target_semaphore(%run_scoped3A : memref<!tpu.dma_semaphore, #tpu.memory_space<semaphore_mem>>)
      %dma_wait3A = arith.constant 0 : i32
      %dma_wait3A_19 = tpu.memref_slice %arg2[%mul3A_6, %dma_wait3A] : memref<2560x128xi32, #tpu.memory_space<hbm>> -> memref<80x128xi32, #tpu.memory_space<hbm>>
      %dma_wait3A_20 = arith.constant 0 : i32
      %dma_wait3A_21 = tpu.memref_slice %arg2[%mul3A_6, %dma_wait3A_20] : memref<2560x128xi32, #tpu.memory_space<hbm>> -> memref<80x128xi32, #tpu.memory_space<hbm>>
      tpu.wait_dma2 semaphore(%run_scoped3A : memref<!tpu.dma_semaphore, #tpu.memory_space<semaphore_mem>>) src(%dma_wait3A_21 : memref<80x128xi32, #tpu.memory_space<hbm>>) dst(%arg7 : memref<80x128xi32, #tpu.memory_space<vmem>>)
      tpu.yield
    }) : () -> ()
    %barrier3A = arith.constant 0 : index
    tpu.barrier barrier_id(%barrier3A)
    %scan3A = arith.constant 0 : i32
    %scan3A_7 = arith.constant 80 : i32
    %scan3A_8 = arith.addi %scan3A, %scan3A_7 : i32
    %scan3A_9 = arith.constant 1 : i32
    scf.for %scan3A_16 = %scan3A to %scan3A_8 step %scan3A_9  : i32 {
      %mul3A_17 = arith.constant 1 : i32
      %mul3A_18 = arith.muli %scan3A_16, %mul3A_17 : i32
      %add3A_19 = arith.constant 0 : i32
      %add3A_20 = arith.addi %add3A_19, %mul3A_18 : i32
      "tpu.region"() ({
        %run_scoped3A = tpu.sem_alloc : memref<!tpu.dma_semaphore, #tpu.memory_space<semaphore_mem>>
        %dma_start3A = arith.constant 0 : i32
        %dma_start3A_21 = tpu.memref_slice %arg7[%add3A_20, %dma_start3A] : memref<80x128xi32, #tpu.memory_space<vmem>> -> memref<1x128xi32, #tpu.memory_space<vmem>>
        %dma_start3A_22 = tpu.memref_squeeze %dma_start3A_21 : memref<1x128xi32, #tpu.memory_space<vmem>> -> memref<128xi32, #tpu.memory_space<vmem>>
        %dma_start3A_23 = arith.constant 0 : i32
        %dma_start3A_24 = arith.constant 0 : i32
        %dma_start3A_25 = tpu.memref_slice %arg6[%dma_start3A_23, %dma_start3A_24] : memref<10240x16xf32, #tpu.memory_space<vmem_shared>> -> memref<10240x16xf32, #tpu.memory_space<vmem_shared>>
        tpu.enqueue_indirect_dma source(%arg8 : memref<128x16xf32, #tpu.memory_space<vmem>>) target(%dma_start3A_25 : memref<10240x16xf32, #tpu.memory_space<vmem_shared>>) offsets(%dma_start3A_22 : memref<128xi32, #tpu.memory_space<vmem>>) semaphore(%run_scoped3A : memref<!tpu.dma_semaphore, #tpu.memory_space<semaphore_mem>>) {add = true}
        %dma_wait3A = arith.constant 0 : i32
        %dma_wait3A_26 = tpu.memref_slice %arg7[%add3A_20, %dma_wait3A] : memref<80x128xi32, #tpu.memory_space<vmem>> -> memref<1x128xi32, #tpu.memory_space<vmem>>
        %dma_wait3A_27 = tpu.memref_squeeze %dma_wait3A_26 : memref<1x128xi32, #tpu.memory_space<vmem>> -> memref<128xi32, #tpu.memory_space<vmem>>
        %dma_wait3A_28 = arith.constant 0 : i32
        %dma_wait3A_29 = arith.constant 0 : i32
        %dma_wait3A_30 = tpu.memref_slice %arg6[%dma_wait3A_28, %dma_wait3A_29] : memref<10240x16xf32, #tpu.memory_space<vmem_shared>> -> memref<10240x16xf32, #tpu.memory_space<vmem_shared>>
        tpu.wait_indirect_dma semaphore(%run_scoped3A : memref<!tpu.dma_semaphore, #tpu.memory_space<semaphore_mem>>) src(%arg8 : memref<128x16xf32, #tpu.memory_space<vmem>>) dst(%dma_wait3A_30 : memref<10240x16xf32, #tpu.memory_space<vmem_shared>>)
        tpu.yield
      }) : () -> ()
    }
    %scan3A_10 = arith.constant 80 : i32
    %barrier3A_11 = arith.constant 0 : index
    tpu.barrier barrier_id(%barrier3A_11)
    %mul3A_12 = arith.constant 640 : i32
    %mul3A_13 = arith.muli %arg1, %mul3A_12 : i32
    %mul3A_14 = arith.constant 640 : i32
    %mul3A_15 = arith.muli %arg1, %mul3A_14 : i32
    "tpu.region"() ({
      %run_scoped3A = tpu.sem_alloc : memref<!tpu.dma_semaphore, #tpu.memory_space<semaphore_mem>>
      %dma_start3A = arith.constant 0 : i32
      %dma_start3A_16 = tpu.memref_slice %arg5[%arg0, %mul3A_15, %dma_start3A] : memref<2x10240x16xf32, #tpu.memory_space<hbm>> -> memref<1x640x16xf32, #tpu.memory_space<hbm>>
      %dma_start3A_17 = tpu.memref_squeeze %dma_start3A_16 : memref<1x640x16xf32, #tpu.memory_space<hbm>> -> memref<640x16xf32, #tpu.memory_space<hbm>>
      %dma_start3A_18 = arith.constant 0 : i32
      %dma_start3A_19 = tpu.memref_slice %arg6[%mul3A_13, %dma_start3A_18] : memref<10240x16xf32, #tpu.memory_space<vmem_shared>> -> memref<640x16xf32, #tpu.memory_space<vmem_shared>>
      tpu.enqueue_dma source(%dma_start3A_19 : memref<640x16xf32, #tpu.memory_space<vmem_shared>>) target(%dma_start3A_17 : memref<640x16xf32, #tpu.memory_space<hbm>>) target_semaphore(%run_scoped3A : memref<!tpu.dma_semaphore, #tpu.memory_space<semaphore_mem>>)
      %dma_wait3A = arith.constant 0 : i32
      %dma_wait3A_20 = tpu.memref_slice %arg5[%arg0, %mul3A_15, %dma_wait3A] : memref<2x10240x16xf32, #tpu.memory_space<hbm>> -> memref<1x640x16xf32, #tpu.memory_space<hbm>>
      %dma_wait3A_21 = tpu.memref_squeeze %dma_wait3A_20 : memref<1x640x16xf32, #tpu.memory_space<hbm>> -> memref<640x16xf32, #tpu.memory_space<hbm>>
      %dma_wait3A_22 = arith.constant 0 : i32
      %dma_wait3A_23 = tpu.memref_slice %arg6[%mul3A_13, %dma_wait3A_22] : memref<10240x16xf32, #tpu.memory_space<vmem_shared>> -> memref<640x16xf32, #tpu.memory_space<vmem_shared>>
      tpu.wait_dma2 semaphore(%run_scoped3A : memref<!tpu.dma_semaphore, #tpu.memory_space<semaphore_mem>>) src(%dma_wait3A_23 : memref<640x16xf32, #tpu.memory_space<vmem_shared>>) dst(%dma_wait3A_21 : memref<640x16xf32, #tpu.memory_space<hbm>>)
      tpu.yield
    }) : () -> ()
    return
  }
}

#map = affine_map<(d0, d1) -> (0, 0, 0)>
#map1 = affine_map<(d0, d1) -> (0, 0)>
module attributes {stable_mosaic.version = 14 : i64} {
  func.func @_edge_kernel(%arg0: i32, %arg1: i32, %arg2: memref<2x10240x64xf32, #tpu.memory_space<hbm>>, %arg3: memref<2560x128xi32, #tpu.memory_space<hbm>>, %arg4: memref<2560x128xi32, #tpu.memory_space<hbm>>, %arg5: memref<10240x64xf32, #tpu.memory_space<hbm>>, %arg6: memref<2x10240x64xf32, #tpu.memory_space<hbm>>, %arg7: memref<10240x64xf32, #tpu.memory_space<vmem_shared>>, %arg8: memref<80x128xi32, #tpu.memory_space<vmem>>, %arg9: memref<128x64xf32, #tpu.memory_space<vmem>>, %arg10: memref<128x64xf32, #tpu.memory_space<vmem>>, %arg11: memref<!tpu.dma_semaphore, #tpu.memory_space<semaphore_mem>>, %arg12: memref<!tpu.dma_semaphore, #tpu.memory_space<semaphore_mem>>, %arg13: memref<80x128xi32, #tpu.memory_space<vmem>>, %arg14: memref<10240x64xf32, #tpu.memory_space<vmem_shared>>) attributes {dimension_semantics = [#tpu.dimension_semantics<core_parallel>, #tpu.dimension_semantics<subcore_parallel>], iteration_bounds = array<i64: 2, 16>, scalar_prefetch = 0 : i64, scratch_operands = 8 : i64, tpu.core_type = #tpu.core_type<sc_vector_subcore>, window_params = [{transform_indices = #map}, {transform_indices = #map1}, {transform_indices = #map1}, {transform_indices = #map1}, {transform_indices = #map}]} {
    %mul3A = arith.constant 640 : i32
    %mul3A_0 = arith.muli %arg1, %mul3A : i32
    "tpu.region"() ({
      %run_scoped3A_77 = tpu.sem_alloc : memref<!tpu.dma_semaphore, #tpu.memory_space<semaphore_mem>>
      %dma_start3A_78 = arith.constant 0 : i32
      %dma_start3A_79 = tpu.memref_slice %arg14[%mul3A_0, %dma_start3A_78] : memref<10240x64xf32, #tpu.memory_space<vmem_shared>> -> memref<640x64xf32, #tpu.memory_space<vmem_shared>>
      %dma_start3A_80 = arith.constant 0 : i32
      %dma_start3A_81 = tpu.memref_slice %arg2[%arg0, %mul3A_0, %dma_start3A_80] : memref<2x10240x64xf32, #tpu.memory_space<hbm>> -> memref<1x640x64xf32, #tpu.memory_space<hbm>>
      %dma_start3A_82 = tpu.memref_squeeze %dma_start3A_81 : memref<1x640x64xf32, #tpu.memory_space<hbm>> -> memref<640x64xf32, #tpu.memory_space<hbm>>
      tpu.enqueue_dma source(%dma_start3A_82 : memref<640x64xf32, #tpu.memory_space<hbm>>) target(%dma_start3A_79 : memref<640x64xf32, #tpu.memory_space<vmem_shared>>) target_semaphore(%run_scoped3A_77 : memref<!tpu.dma_semaphore, #tpu.memory_space<semaphore_mem>>)
      %dma_wait3A_83 = arith.constant 0 : i32
      %dma_wait3A_84 = tpu.memref_slice %arg14[%mul3A_0, %dma_wait3A_83] : memref<10240x64xf32, #tpu.memory_space<vmem_shared>> -> memref<640x64xf32, #tpu.memory_space<vmem_shared>>
      %dma_wait3A_85 = arith.constant 0 : i32
      %dma_wait3A_86 = tpu.memref_slice %arg2[%arg0, %mul3A_0, %dma_wait3A_85] : memref<2x10240x64xf32, #tpu.memory_space<hbm>> -> memref<1x640x64xf32, #tpu.memory_space<hbm>>
      %dma_wait3A_87 = tpu.memref_squeeze %dma_wait3A_86 : memref<1x640x64xf32, #tpu.memory_space<hbm>> -> memref<640x64xf32, #tpu.memory_space<hbm>>
      tpu.wait_dma2 semaphore(%run_scoped3A_77 : memref<!tpu.dma_semaphore, #tpu.memory_space<semaphore_mem>>) src(%dma_wait3A_87 : memref<640x64xf32, #tpu.memory_space<hbm>>) dst(%dma_wait3A_84 : memref<640x64xf32, #tpu.memory_space<vmem_shared>>)
      tpu.yield
    }) : () -> ()
    "tpu.region"() ({
      %run_scoped3A_77 = tpu.sem_alloc : memref<!tpu.dma_semaphore, #tpu.memory_space<semaphore_mem>>
      %dma_start3A_78 = arith.constant 0 : i32
      %dma_start3A_79 = tpu.memref_slice %arg7[%mul3A_0, %dma_start3A_78] : memref<10240x64xf32, #tpu.memory_space<vmem_shared>> -> memref<640x64xf32, #tpu.memory_space<vmem_shared>>
      %dma_start3A_80 = arith.constant 0 : i32
      %dma_start3A_81 = tpu.memref_slice %arg5[%mul3A_0, %dma_start3A_80] : memref<10240x64xf32, #tpu.memory_space<hbm>> -> memref<640x64xf32, #tpu.memory_space<hbm>>
      tpu.enqueue_dma source(%dma_start3A_81 : memref<640x64xf32, #tpu.memory_space<hbm>>) target(%dma_start3A_79 : memref<640x64xf32, #tpu.memory_space<vmem_shared>>) target_semaphore(%run_scoped3A_77 : memref<!tpu.dma_semaphore, #tpu.memory_space<semaphore_mem>>)
      %dma_wait3A_82 = arith.constant 0 : i32
      %dma_wait3A_83 = tpu.memref_slice %arg7[%mul3A_0, %dma_wait3A_82] : memref<10240x64xf32, #tpu.memory_space<vmem_shared>> -> memref<640x64xf32, #tpu.memory_space<vmem_shared>>
      %dma_wait3A_84 = arith.constant 0 : i32
      %dma_wait3A_85 = tpu.memref_slice %arg5[%mul3A_0, %dma_wait3A_84] : memref<10240x64xf32, #tpu.memory_space<hbm>> -> memref<640x64xf32, #tpu.memory_space<hbm>>
      tpu.wait_dma2 semaphore(%run_scoped3A_77 : memref<!tpu.dma_semaphore, #tpu.memory_space<semaphore_mem>>) src(%dma_wait3A_85 : memref<640x64xf32, #tpu.memory_space<hbm>>) dst(%dma_wait3A_83 : memref<640x64xf32, #tpu.memory_space<vmem_shared>>)
      tpu.yield
    }) : () -> ()
    %mul3A_1 = arith.constant 160 : i32
    %mul3A_2 = arith.muli %arg1, %mul3A_1 : i32
    %barrier3A = arith.constant 0 : index
    tpu.barrier barrier_id(%barrier3A)
    %add3A = arith.constant 0 : i32
    %add3A_3 = arith.addi %mul3A_2, %add3A : i32
    "tpu.region"() ({
      %run_scoped3A_77 = tpu.sem_alloc : memref<!tpu.dma_semaphore, #tpu.memory_space<semaphore_mem>>
      %dma_start3A_78 = arith.constant 0 : i32
      %dma_start3A_79 = tpu.memref_slice %arg3[%add3A_3, %dma_start3A_78] : memref<2560x128xi32, #tpu.memory_space<hbm>> -> memref<80x128xi32, #tpu.memory_space<hbm>>
      %dma_start3A_80 = arith.constant 0 : i32
      %dma_start3A_81 = tpu.memref_slice %arg3[%add3A_3, %dma_start3A_80] : memref<2560x128xi32, #tpu.memory_space<hbm>> -> memref<80x128xi32, #tpu.memory_space<hbm>>
      tpu.enqueue_dma source(%dma_start3A_81 : memref<80x128xi32, #tpu.memory_space<hbm>>) target(%arg13 : memref<80x128xi32, #tpu.memory_space<vmem>>) target_semaphore(%run_scoped3A_77 : memref<!tpu.dma_semaphore, #tpu.memory_space<semaphore_mem>>)
      %dma_wait3A_82 = arith.constant 0 : i32
      %dma_wait3A_83 = tpu.memref_slice %arg3[%add3A_3, %dma_wait3A_82] : memref<2560x128xi32, #tpu.memory_space<hbm>> -> memref<80x128xi32, #tpu.memory_space<hbm>>
      %dma_wait3A_84 = arith.constant 0 : i32
      %dma_wait3A_85 = tpu.memref_slice %arg3[%add3A_3, %dma_wait3A_84] : memref<2560x128xi32, #tpu.memory_space<hbm>> -> memref<80x128xi32, #tpu.memory_space<hbm>>
      tpu.wait_dma2 semaphore(%run_scoped3A_77 : memref<!tpu.dma_semaphore, #tpu.memory_space<semaphore_mem>>) src(%dma_wait3A_85 : memref<80x128xi32, #tpu.memory_space<hbm>>) dst(%arg13 : memref<80x128xi32, #tpu.memory_space<vmem>>)
      tpu.yield
    }) : () -> ()
    %add3A_4 = arith.constant 0 : i32
    %add3A_5 = arith.addi %mul3A_2, %add3A_4 : i32
    "tpu.region"() ({
      %run_scoped3A_77 = tpu.sem_alloc : memref<!tpu.dma_semaphore, #tpu.memory_space<semaphore_mem>>
      %dma_start3A_78 = arith.constant 0 : i32
      %dma_start3A_79 = tpu.memref_slice %arg4[%add3A_5, %dma_start3A_78] : memref<2560x128xi32, #tpu.memory_space<hbm>> -> memref<80x128xi32, #tpu.memory_space<hbm>>
      %dma_start3A_80 = arith.constant 0 : i32
      %dma_start3A_81 = tpu.memref_slice %arg4[%add3A_5, %dma_start3A_80] : memref<2560x128xi32, #tpu.memory_space<hbm>> -> memref<80x128xi32, #tpu.memory_space<hbm>>
      tpu.enqueue_dma source(%dma_start3A_81 : memref<80x128xi32, #tpu.memory_space<hbm>>) target(%arg8 : memref<80x128xi32, #tpu.memory_space<vmem>>) target_semaphore(%run_scoped3A_77 : memref<!tpu.dma_semaphore, #tpu.memory_space<semaphore_mem>>)
      %dma_wait3A_82 = arith.constant 0 : i32
      %dma_wait3A_83 = tpu.memref_slice %arg4[%add3A_5, %dma_wait3A_82] : memref<2560x128xi32, #tpu.memory_space<hbm>> -> memref<80x128xi32, #tpu.memory_space<hbm>>
      %dma_wait3A_84 = arith.constant 0 : i32
      %dma_wait3A_85 = tpu.memref_slice %arg4[%add3A_5, %dma_wait3A_84] : memref<2560x128xi32, #tpu.memory_space<hbm>> -> memref<80x128xi32, #tpu.memory_space<hbm>>
      tpu.wait_dma2 semaphore(%run_scoped3A_77 : memref<!tpu.dma_semaphore, #tpu.memory_space<semaphore_mem>>) src(%dma_wait3A_85 : memref<80x128xi32, #tpu.memory_space<hbm>>) dst(%arg8 : memref<80x128xi32, #tpu.memory_space<vmem>>)
      tpu.yield
    }) : () -> ()
    %dma_start3A = arith.constant 0 : i32
    %dma_start3A_6 = arith.constant 0 : i32
    %dma_start3A_7 = tpu.memref_slice %arg13[%dma_start3A, %dma_start3A_6] : memref<80x128xi32, #tpu.memory_space<vmem>> -> memref<1x128xi32, #tpu.memory_space<vmem>>
    %dma_start3A_8 = tpu.memref_squeeze %dma_start3A_7 : memref<1x128xi32, #tpu.memory_space<vmem>> -> memref<128xi32, #tpu.memory_space<vmem>>
    %dma_start3A_9 = arith.constant 0 : i32
    %dma_start3A_10 = arith.constant 0 : i32
    %dma_start3A_11 = tpu.memref_slice %arg14[%dma_start3A_9, %dma_start3A_10] : memref<10240x64xf32, #tpu.memory_space<vmem_shared>> -> memref<10240x64xf32, #tpu.memory_space<vmem_shared>>
    tpu.enqueue_indirect_dma source(%dma_start3A_11 : memref<10240x64xf32, #tpu.memory_space<vmem_shared>>) target(%arg9 : memref<128x64xf32, #tpu.memory_space<vmem>>) offsets(%dma_start3A_8 : memref<128xi32, #tpu.memory_space<vmem>>) semaphore(%arg11 : memref<!tpu.dma_semaphore, #tpu.memory_space<semaphore_mem>>)
    %scan3A = arith.constant 0 : i32
    %scan3A_12 = arith.constant 39 : i32
    %scan3A_13 = arith.addi %scan3A, %scan3A_12 : i32
    %scan3A_14 = arith.constant 1 : i32
    scf.for %scan3A_77 = %scan3A to %scan3A_13 step %scan3A_14  : i32 {
      %mul3A_78 = arith.constant 1 : i32
      %mul3A_79 = arith.muli %scan3A_77, %mul3A_78 : i32
      %add3A_80 = arith.constant 0 : i32
      %add3A_81 = arith.addi %add3A_80, %mul3A_79 : i32
      %mul3A_82 = arith.constant 2 : i32
      %mul3A_83 = arith.muli %mul3A_82, %add3A_81 : i32
      %dma_wait3A_84 = arith.constant 0 : i32
      %dma_wait3A_85 = tpu.memref_slice %arg13[%mul3A_83, %dma_wait3A_84] : memref<80x128xi32, #tpu.memory_space<vmem>> -> memref<1x128xi32, #tpu.memory_space<vmem>>
      %dma_wait3A_86 = tpu.memref_squeeze %dma_wait3A_85 : memref<1x128xi32, #tpu.memory_space<vmem>> -> memref<128xi32, #tpu.memory_space<vmem>>
      %dma_wait3A_87 = arith.constant 0 : i32
      %dma_wait3A_88 = arith.constant 0 : i32
      %dma_wait3A_89 = tpu.memref_slice %arg14[%dma_wait3A_87, %dma_wait3A_88] : memref<10240x64xf32, #tpu.memory_space<vmem_shared>> -> memref<10240x64xf32, #tpu.memory_space<vmem_shared>>
      tpu.wait_indirect_dma semaphore(%arg11 : memref<!tpu.dma_semaphore, #tpu.memory_space<semaphore_mem>>) src(%dma_wait3A_89 : memref<10240x64xf32, #tpu.memory_space<vmem_shared>>) dst(%arg9 : memref<128x64xf32, #tpu.memory_space<vmem>>)
      %add3A_90 = arith.constant 1 : i32
      %add3A_91 = arith.addi %mul3A_83, %add3A_90 : i32
      %dma_start3A_92 = arith.constant 0 : i32
      %dma_start3A_93 = tpu.memref_slice %arg13[%add3A_91, %dma_start3A_92] : memref<80x128xi32, #tpu.memory_space<vmem>> -> memref<1x128xi32, #tpu.memory_space<vmem>>
      %dma_start3A_94 = tpu.memref_squeeze %dma_start3A_93 : memref<1x128xi32, #tpu.memory_space<vmem>> -> memref<128xi32, #tpu.memory_space<vmem>>
      %dma_start3A_95 = arith.constant 0 : i32
      %dma_start3A_96 = arith.constant 0 : i32
      %dma_start3A_97 = tpu.memref_slice %arg14[%dma_start3A_95, %dma_start3A_96] : memref<10240x64xf32, #tpu.memory_space<vmem_shared>> -> memref<10240x64xf32, #tpu.memory_space<vmem_shared>>
      tpu.enqueue_indirect_dma source(%dma_start3A_97 : memref<10240x64xf32, #tpu.memory_space<vmem_shared>>) target(%arg10 : memref<128x64xf32, #tpu.memory_space<vmem>>) offsets(%dma_start3A_94 : memref<128xi32, #tpu.memory_space<vmem>>) semaphore(%arg12 : memref<!tpu.dma_semaphore, #tpu.memory_space<semaphore_mem>>)
      "tpu.region"() ({
        %run_scoped3A_116 = tpu.sem_alloc : memref<!tpu.dma_semaphore, #tpu.memory_space<semaphore_mem>>
        %dma_start3A_117 = arith.constant 0 : i32
        %dma_start3A_118 = tpu.memref_slice %arg8[%mul3A_83, %dma_start3A_117] : memref<80x128xi32, #tpu.memory_space<vmem>> -> memref<1x128xi32, #tpu.memory_space<vmem>>
        %dma_start3A_119 = tpu.memref_squeeze %dma_start3A_118 : memref<1x128xi32, #tpu.memory_space<vmem>> -> memref<128xi32, #tpu.memory_space<vmem>>
        %dma_start3A_120 = arith.constant 0 : i32
        %dma_start3A_121 = arith.constant 0 : i32
        %dma_start3A_122 = tpu.memref_slice %arg7[%dma_start3A_120, %dma_start3A_121] : memref<10240x64xf32, #tpu.memory_space<vmem_shared>> -> memref<10240x64xf32, #tpu.memory_space<vmem_shared>>
        tpu.enqueue_indirect_dma source(%arg9 : memref<128x64xf32, #tpu.memory_space<vmem>>) target(%dma_start3A_122 : memref<10240x64xf32, #tpu.memory_space<vmem_shared>>) offsets(%dma_start3A_119 : memref<128xi32, #tpu.memory_space<vmem>>) semaphore(%run_scoped3A_116 : memref<!tpu.dma_semaphore, #tpu.memory_space<semaphore_mem>>) {add = true}
        %dma_wait3A_123 = arith.constant 0 : i32
        %dma_wait3A_124 = tpu.memref_slice %arg8[%mul3A_83, %dma_wait3A_123] : memref<80x128xi32, #tpu.memory_space<vmem>> -> memref<1x128xi32, #tpu.memory_space<vmem>>
        %dma_wait3A_125 = tpu.memref_squeeze %dma_wait3A_124 : memref<1x128xi32, #tpu.memory_space<vmem>> -> memref<128xi32, #tpu.memory_space<vmem>>
        %dma_wait3A_126 = arith.constant 0 : i32
        %dma_wait3A_127 = arith.constant 0 : i32
        %dma_wait3A_128 = tpu.memref_slice %arg7[%dma_wait3A_126, %dma_wait3A_127] : memref<10240x64xf32, #tpu.memory_space<vmem_shared>> -> memref<10240x64xf32, #tpu.memory_space<vmem_shared>>
        tpu.wait_indirect_dma semaphore(%run_scoped3A_116 : memref<!tpu.dma_semaphore, #tpu.memory_space<semaphore_mem>>) src(%arg9 : memref<128x64xf32, #tpu.memory_space<vmem>>) dst(%dma_wait3A_128 : memref<10240x64xf32, #tpu.memory_space<vmem_shared>>)
        tpu.yield
      }) : () -> ()
      %add3A_98 = arith.constant 1 : i32
      %add3A_99 = arith.addi %mul3A_83, %add3A_98 : i32
      %dma_wait3A_100 = arith.constant 0 : i32
      %dma_wait3A_101 = tpu.memref_slice %arg13[%add3A_99, %dma_wait3A_100] : memref<80x128xi32, #tpu.memory_space<vmem>> -> memref<1x128xi32, #tpu.memory_space<vmem>>
      %dma_wait3A_102 = tpu.memref_squeeze %dma_wait3A_101 : memref<1x128xi32, #tpu.memory_space<vmem>> -> memref<128xi32, #tpu.memory_space<vmem>>
      %dma_wait3A_103 = arith.constant 0 : i32
      %dma_wait3A_104 = arith.constant 0 : i32
      %dma_wait3A_105 = tpu.memref_slice %arg14[%dma_wait3A_103, %dma_wait3A_104] : memref<10240x64xf32, #tpu.memory_space<vmem_shared>> -> memref<10240x64xf32, #tpu.memory_space<vmem_shared>>
      tpu.wait_indirect_dma semaphore(%arg12 : memref<!tpu.dma_semaphore, #tpu.memory_space<semaphore_mem>>) src(%dma_wait3A_105 : memref<10240x64xf32, #tpu.memory_space<vmem_shared>>) dst(%arg10 : memref<128x64xf32, #tpu.memory_space<vmem>>)
      %add3A_106 = arith.constant 2 : i32
      %add3A_107 = arith.addi %mul3A_83, %add3A_106 : i32
      %dma_start3A_108 = arith.constant 0 : i32
      %dma_start3A_109 = tpu.memref_slice %arg13[%add3A_107, %dma_start3A_108] : memref<80x128xi32, #tpu.memory_space<vmem>> -> memref<1x128xi32, #tpu.memory_space<vmem>>
      %dma_start3A_110 = tpu.memref_squeeze %dma_start3A_109 : memref<1x128xi32, #tpu.memory_space<vmem>> -> memref<128xi32, #tpu.memory_space<vmem>>
      %dma_start3A_111 = arith.constant 0 : i32
      %dma_start3A_112 = arith.constant 0 : i32
      %dma_start3A_113 = tpu.memref_slice %arg14[%dma_start3A_111, %dma_start3A_112] : memref<10240x64xf32, #tpu.memory_space<vmem_shared>> -> memref<10240x64xf32, #tpu.memory_space<vmem_shared>>
      tpu.enqueue_indirect_dma source(%dma_start3A_113 : memref<10240x64xf32, #tpu.memory_space<vmem_shared>>) target(%arg9 : memref<128x64xf32, #tpu.memory_space<vmem>>) offsets(%dma_start3A_110 : memref<128xi32, #tpu.memory_space<vmem>>) semaphore(%arg11 : memref<!tpu.dma_semaphore, #tpu.memory_space<semaphore_mem>>)
      %add3A_114 = arith.constant 1 : i32
      %add3A_115 = arith.addi %mul3A_83, %add3A_114 : i32
      "tpu.region"() ({
        %run_scoped3A_116 = tpu.sem_alloc : memref<!tpu.dma_semaphore, #tpu.memory_space<semaphore_mem>>
        %dma_start3A_117 = arith.constant 0 : i32
        %dma_start3A_118 = tpu.memref_slice %arg8[%add3A_115, %dma_start3A_117] : memref<80x128xi32, #tpu.memory_space<vmem>> -> memref<1x128xi32, #tpu.memory_space<vmem>>
        %dma_start3A_119 = tpu.memref_squeeze %dma_start3A_118 : memref<1x128xi32, #tpu.memory_space<vmem>> -> memref<128xi32, #tpu.memory_space<vmem>>
        %dma_start3A_120 = arith.constant 0 : i32
        %dma_start3A_121 = arith.constant 0 : i32
        %dma_start3A_122 = tpu.memref_slice %arg7[%dma_start3A_120, %dma_start3A_121] : memref<10240x64xf32, #tpu.memory_space<vmem_shared>> -> memref<10240x64xf32, #tpu.memory_space<vmem_shared>>
        tpu.enqueue_indirect_dma source(%arg10 : memref<128x64xf32, #tpu.memory_space<vmem>>) target(%dma_start3A_122 : memref<10240x64xf32, #tpu.memory_space<vmem_shared>>) offsets(%dma_start3A_119 : memref<128xi32, #tpu.memory_space<vmem>>) semaphore(%run_scoped3A_116 : memref<!tpu.dma_semaphore, #tpu.memory_space<semaphore_mem>>) {add = true}
        %dma_wait3A_123 = arith.constant 0 : i32
        %dma_wait3A_124 = tpu.memref_slice %arg8[%add3A_115, %dma_wait3A_123] : memref<80x128xi32, #tpu.memory_space<vmem>> -> memref<1x128xi32, #tpu.memory_space<vmem>>
        %dma_wait3A_125 = tpu.memref_squeeze %dma_wait3A_124 : memref<1x128xi32, #tpu.memory_space<vmem>> -> memref<128xi32, #tpu.memory_space<vmem>>
        %dma_wait3A_126 = arith.constant 0 : i32
        %dma_wait3A_127 = arith.constant 0 : i32
        %dma_wait3A_128 = tpu.memref_slice %arg7[%dma_wait3A_126, %dma_wait3A_127] : memref<10240x64xf32, #tpu.memory_space<vmem_shared>> -> memref<10240x64xf32, #tpu.memory_space<vmem_shared>>
        tpu.wait_indirect_dma semaphore(%run_scoped3A_116 : memref<!tpu.dma_semaphore, #tpu.memory_space<semaphore_mem>>) src(%arg10 : memref<128x64xf32, #tpu.memory_space<vmem>>) dst(%dma_wait3A_128 : memref<10240x64xf32, #tpu.memory_space<vmem_shared>>)
        tpu.yield
      }) : () -> ()
    }
    %scan3A_15 = arith.constant 39 : i32
    %dma_wait3A = arith.constant 78 : i32
    %dma_wait3A_16 = arith.constant 0 : i32
    %dma_wait3A_17 = tpu.memref_slice %arg13[%dma_wait3A, %dma_wait3A_16] : memref<80x128xi32, #tpu.memory_space<vmem>> -> memref<1x128xi32, #tpu.memory_space<vmem>>
    %dma_wait3A_18 = tpu.memref_squeeze %dma_wait3A_17 : memref<1x128xi32, #tpu.memory_space<vmem>> -> memref<128xi32, #tpu.memory_space<vmem>>
    %dma_wait3A_19 = arith.constant 0 : i32
    %dma_wait3A_20 = arith.constant 0 : i32
    %dma_wait3A_21 = tpu.memref_slice %arg14[%dma_wait3A_19, %dma_wait3A_20] : memref<10240x64xf32, #tpu.memory_space<vmem_shared>> -> memref<10240x64xf32, #tpu.memory_space<vmem_shared>>
    tpu.wait_indirect_dma semaphore(%arg11 : memref<!tpu.dma_semaphore, #tpu.memory_space<semaphore_mem>>) src(%dma_wait3A_21 : memref<10240x64xf32, #tpu.memory_space<vmem_shared>>) dst(%arg9 : memref<128x64xf32, #tpu.memory_space<vmem>>)
    %dma_start3A_22 = arith.constant 79 : i32
    %dma_start3A_23 = arith.constant 0 : i32
    %dma_start3A_24 = tpu.memref_slice %arg13[%dma_start3A_22, %dma_start3A_23] : memref<80x128xi32, #tpu.memory_space<vmem>> -> memref<1x128xi32, #tpu.memory_space<vmem>>
    %dma_start3A_25 = tpu.memref_squeeze %dma_start3A_24 : memref<1x128xi32, #tpu.memory_space<vmem>> -> memref<128xi32, #tpu.memory_space<vmem>>
    %dma_start3A_26 = arith.constant 0 : i32
    %dma_start3A_27 = arith.constant 0 : i32
    %dma_start3A_28 = tpu.memref_slice %arg14[%dma_start3A_26, %dma_start3A_27] : memref<10240x64xf32, #tpu.memory_space<vmem_shared>> -> memref<10240x64xf32, #tpu.memory_space<vmem_shared>>
    tpu.enqueue_indirect_dma source(%dma_start3A_28 : memref<10240x64xf32, #tpu.memory_space<vmem_shared>>) target(%arg10 : memref<128x64xf32, #tpu.memory_space<vmem>>) offsets(%dma_start3A_25 : memref<128xi32, #tpu.memory_space<vmem>>) semaphore(%arg12 : memref<!tpu.dma_semaphore, #tpu.memory_space<semaphore_mem>>)
    %run_scoped3A = arith.constant 78 : i32
    "tpu.region"() ({
      %run_scoped3A_77 = tpu.sem_alloc : memref<!tpu.dma_semaphore, #tpu.memory_space<semaphore_mem>>
      %dma_start3A_78 = arith.constant 0 : i32
      %dma_start3A_79 = tpu.memref_slice %arg8[%run_scoped3A, %dma_start3A_78] : memref<80x128xi32, #tpu.memory_space<vmem>> -> memref<1x128xi32, #tpu.memory_space<vmem>>
      %dma_start3A_80 = tpu.memref_squeeze %dma_start3A_79 : memref<1x128xi32, #tpu.memory_space<vmem>> -> memref<128xi32, #tpu.memory_space<vmem>>
      %dma_start3A_81 = arith.constant 0 : i32
      %dma_start3A_82 = arith.constant 0 : i32
      %dma_start3A_83 = tpu.memref_slice %arg7[%dma_start3A_81, %dma_start3A_82] : memref<10240x64xf32, #tpu.memory_space<vmem_shared>> -> memref<10240x64xf32, #tpu.memory_space<vmem_shared>>
      tpu.enqueue_indirect_dma source(%arg9 : memref<128x64xf32, #tpu.memory_space<vmem>>) target(%dma_start3A_83 : memref<10240x64xf32, #tpu.memory_space<vmem_shared>>) offsets(%dma_start3A_80 : memref<128xi32, #tpu.memory_space<vmem>>) semaphore(%run_scoped3A_77 : memref<!tpu.dma_semaphore, #tpu.memory_space<semaphore_mem>>) {add = true}
      %dma_wait3A_84 = arith.constant 0 : i32
      %dma_wait3A_85 = tpu.memref_slice %arg8[%run_scoped3A, %dma_wait3A_84] : memref<80x128xi32, #tpu.memory_space<vmem>> -> memref<1x128xi32, #tpu.memory_space<vmem>>
      %dma_wait3A_86 = tpu.memref_squeeze %dma_wait3A_85 : memref<1x128xi32, #tpu.memory_space<vmem>> -> memref<128xi32, #tpu.memory_space<vmem>>
      %dma_wait3A_87 = arith.constant 0 : i32
      %dma_wait3A_88 = arith.constant 0 : i32
      %dma_wait3A_89 = tpu.memref_slice %arg7[%dma_wait3A_87, %dma_wait3A_88] : memref<10240x64xf32, #tpu.memory_space<vmem_shared>> -> memref<10240x64xf32, #tpu.memory_space<vmem_shared>>
      tpu.wait_indirect_dma semaphore(%run_scoped3A_77 : memref<!tpu.dma_semaphore, #tpu.memory_space<semaphore_mem>>) src(%arg9 : memref<128x64xf32, #tpu.memory_space<vmem>>) dst(%dma_wait3A_89 : memref<10240x64xf32, #tpu.memory_space<vmem_shared>>)
      tpu.yield
    }) : () -> ()
    %dma_wait3A_29 = arith.constant 79 : i32
    %dma_wait3A_30 = arith.constant 0 : i32
    %dma_wait3A_31 = tpu.memref_slice %arg13[%dma_wait3A_29, %dma_wait3A_30] : memref<80x128xi32, #tpu.memory_space<vmem>> -> memref<1x128xi32, #tpu.memory_space<vmem>>
    %dma_wait3A_32 = tpu.memref_squeeze %dma_wait3A_31 : memref<1x128xi32, #tpu.memory_space<vmem>> -> memref<128xi32, #tpu.memory_space<vmem>>
    %dma_wait3A_33 = arith.constant 0 : i32
    %dma_wait3A_34 = arith.constant 0 : i32
    %dma_wait3A_35 = tpu.memref_slice %arg14[%dma_wait3A_33, %dma_wait3A_34] : memref<10240x64xf32, #tpu.memory_space<vmem_shared>> -> memref<10240x64xf32, #tpu.memory_space<vmem_shared>>
    tpu.wait_indirect_dma semaphore(%arg12 : memref<!tpu.dma_semaphore, #tpu.memory_space<semaphore_mem>>) src(%dma_wait3A_35 : memref<10240x64xf32, #tpu.memory_space<vmem_shared>>) dst(%arg10 : memref<128x64xf32, #tpu.memory_space<vmem>>)
    %run_scoped3A_36 = arith.constant 79 : i32
    "tpu.region"() ({
      %run_scoped3A_77 = tpu.sem_alloc : memref<!tpu.dma_semaphore, #tpu.memory_space<semaphore_mem>>
      %dma_start3A_78 = arith.constant 0 : i32
      %dma_start3A_79 = tpu.memref_slice %arg8[%run_scoped3A_36, %dma_start3A_78] : memref<80x128xi32, #tpu.memory_space<vmem>> -> memref<1x128xi32, #tpu.memory_space<vmem>>
      %dma_start3A_80 = tpu.memref_squeeze %dma_start3A_79 : memref<1x128xi32, #tpu.memory_space<vmem>> -> memref<128xi32, #tpu.memory_space<vmem>>
      %dma_start3A_81 = arith.constant 0 : i32
      %dma_start3A_82 = arith.constant 0 : i32
      %dma_start3A_83 = tpu.memref_slice %arg7[%dma_start3A_81, %dma_start3A_82] : memref<10240x64xf32, #tpu.memory_space<vmem_shared>> -> memref<10240x64xf32, #tpu.memory_space<vmem_shared>>
      tpu.enqueue_indirect_dma source(%arg10 : memref<128x64xf32, #tpu.memory_space<vmem>>) target(%dma_start3A_83 : memref<10240x64xf32, #tpu.memory_space<vmem_shared>>) offsets(%dma_start3A_80 : memref<128xi32, #tpu.memory_space<vmem>>) semaphore(%run_scoped3A_77 : memref<!tpu.dma_semaphore, #tpu.memory_space<semaphore_mem>>) {add = true}
      %dma_wait3A_84 = arith.constant 0 : i32
      %dma_wait3A_85 = tpu.memref_slice %arg8[%run_scoped3A_36, %dma_wait3A_84] : memref<80x128xi32, #tpu.memory_space<vmem>> -> memref<1x128xi32, #tpu.memory_space<vmem>>
      %dma_wait3A_86 = tpu.memref_squeeze %dma_wait3A_85 : memref<1x128xi32, #tpu.memory_space<vmem>> -> memref<128xi32, #tpu.memory_space<vmem>>
      %dma_wait3A_87 = arith.constant 0 : i32
      %dma_wait3A_88 = arith.constant 0 : i32
      %dma_wait3A_89 = tpu.memref_slice %arg7[%dma_wait3A_87, %dma_wait3A_88] : memref<10240x64xf32, #tpu.memory_space<vmem_shared>> -> memref<10240x64xf32, #tpu.memory_space<vmem_shared>>
      tpu.wait_indirect_dma semaphore(%run_scoped3A_77 : memref<!tpu.dma_semaphore, #tpu.memory_space<semaphore_mem>>) src(%arg10 : memref<128x64xf32, #tpu.memory_space<vmem>>) dst(%dma_wait3A_89 : memref<10240x64xf32, #tpu.memory_space<vmem_shared>>)
      tpu.yield
    }) : () -> ()
    %add3A_37 = arith.constant 80 : i32
    %add3A_38 = arith.addi %mul3A_2, %add3A_37 : i32
    "tpu.region"() ({
      %run_scoped3A_77 = tpu.sem_alloc : memref<!tpu.dma_semaphore, #tpu.memory_space<semaphore_mem>>
      %dma_start3A_78 = arith.constant 0 : i32
      %dma_start3A_79 = tpu.memref_slice %arg3[%add3A_38, %dma_start3A_78] : memref<2560x128xi32, #tpu.memory_space<hbm>> -> memref<80x128xi32, #tpu.memory_space<hbm>>
      %dma_start3A_80 = arith.constant 0 : i32
      %dma_start3A_81 = tpu.memref_slice %arg3[%add3A_38, %dma_start3A_80] : memref<2560x128xi32, #tpu.memory_space<hbm>> -> memref<80x128xi32, #tpu.memory_space<hbm>>
      tpu.enqueue_dma source(%dma_start3A_81 : memref<80x128xi32, #tpu.memory_space<hbm>>) target(%arg13 : memref<80x128xi32, #tpu.memory_space<vmem>>) target_semaphore(%run_scoped3A_77 : memref<!tpu.dma_semaphore, #tpu.memory_space<semaphore_mem>>)
      %dma_wait3A_82 = arith.constant 0 : i32
      %dma_wait3A_83 = tpu.memref_slice %arg3[%add3A_38, %dma_wait3A_82] : memref<2560x128xi32, #tpu.memory_space<hbm>> -> memref<80x128xi32, #tpu.memory_space<hbm>>
      %dma_wait3A_84 = arith.constant 0 : i32
      %dma_wait3A_85 = tpu.memref_slice %arg3[%add3A_38, %dma_wait3A_84] : memref<2560x128xi32, #tpu.memory_space<hbm>> -> memref<80x128xi32, #tpu.memory_space<hbm>>
      tpu.wait_dma2 semaphore(%run_scoped3A_77 : memref<!tpu.dma_semaphore, #tpu.memory_space<semaphore_mem>>) src(%dma_wait3A_85 : memref<80x128xi32, #tpu.memory_space<hbm>>) dst(%arg13 : memref<80x128xi32, #tpu.memory_space<vmem>>)
      tpu.yield
    }) : () -> ()
    %add3A_39 = arith.constant 80 : i32
    %add3A_40 = arith.addi %mul3A_2, %add3A_39 : i32
    "tpu.region"() ({
      %run_scoped3A_77 = tpu.sem_alloc : memref<!tpu.dma_semaphore, #tpu.memory_space<semaphore_mem>>
      %dma_start3A_78 = arith.constant 0 : i32
      %dma_start3A_79 = tpu.memref_slice %arg4[%add3A_40, %dma_start3A_78] : memref<2560x128xi32, #tpu.memory_space<hbm>> -> memref<80x128xi32, #tpu.memory_space<hbm>>
      %dma_start3A_80 = arith.constant 0 : i32
      %dma_start3A_81 = tpu.memref_slice %arg4[%add3A_40, %dma_start3A_80] : memref<2560x128xi32, #tpu.memory_space<hbm>> -> memref<80x128xi32, #tpu.memory_space<hbm>>
      tpu.enqueue_dma source(%dma_start3A_81 : memref<80x128xi32, #tpu.memory_space<hbm>>) target(%arg8 : memref<80x128xi32, #tpu.memory_space<vmem>>) target_semaphore(%run_scoped3A_77 : memref<!tpu.dma_semaphore, #tpu.memory_space<semaphore_mem>>)
      %dma_wait3A_82 = arith.constant 0 : i32
      %dma_wait3A_83 = tpu.memref_slice %arg4[%add3A_40, %dma_wait3A_82] : memref<2560x128xi32, #tpu.memory_space<hbm>> -> memref<80x128xi32, #tpu.memory_space<hbm>>
      %dma_wait3A_84 = arith.constant 0 : i32
      %dma_wait3A_85 = tpu.memref_slice %arg4[%add3A_40, %dma_wait3A_84] : memref<2560x128xi32, #tpu.memory_space<hbm>> -> memref<80x128xi32, #tpu.memory_space<hbm>>
      tpu.wait_dma2 semaphore(%run_scoped3A_77 : memref<!tpu.dma_semaphore, #tpu.memory_space<semaphore_mem>>) src(%dma_wait3A_85 : memref<80x128xi32, #tpu.memory_space<hbm>>) dst(%arg8 : memref<80x128xi32, #tpu.memory_space<vmem>>)
      tpu.yield
    }) : () -> ()
    %dma_start3A_41 = arith.constant 0 : i32
    %dma_start3A_42 = arith.constant 0 : i32
    %dma_start3A_43 = tpu.memref_slice %arg13[%dma_start3A_41, %dma_start3A_42] : memref<80x128xi32, #tpu.memory_space<vmem>> -> memref<1x128xi32, #tpu.memory_space<vmem>>
    %dma_start3A_44 = tpu.memref_squeeze %dma_start3A_43 : memref<1x128xi32, #tpu.memory_space<vmem>> -> memref<128xi32, #tpu.memory_space<vmem>>
    %dma_start3A_45 = arith.constant 0 : i32
    %dma_start3A_46 = arith.constant 0 : i32
    %dma_start3A_47 = tpu.memref_slice %arg14[%dma_start3A_45, %dma_start3A_46] : memref<10240x64xf32, #tpu.memory_space<vmem_shared>> -> memref<10240x64xf32, #tpu.memory_space<vmem_shared>>
    tpu.enqueue_indirect_dma source(%dma_start3A_47 : memref<10240x64xf32, #tpu.memory_space<vmem_shared>>) target(%arg9 : memref<128x64xf32, #tpu.memory_space<vmem>>) offsets(%dma_start3A_44 : memref<128xi32, #tpu.memory_space<vmem>>) semaphore(%arg11 : memref<!tpu.dma_semaphore, #tpu.memory_space<semaphore_mem>>)
    %scan3A_48 = arith.constant 0 : i32
    %scan3A_49 = arith.constant 39 : i32
    %scan3A_50 = arith.addi %scan3A_48, %scan3A_49 : i32
    %scan3A_51 = arith.constant 1 : i32
    scf.for %scan3A_77 = %scan3A_48 to %scan3A_50 step %scan3A_51  : i32 {
      %mul3A_78 = arith.constant 1 : i32
      %mul3A_79 = arith.muli %scan3A_77, %mul3A_78 : i32
      %add3A_80 = arith.constant 0 : i32
      %add3A_81 = arith.addi %add3A_80, %mul3A_79 : i32
      %mul3A_82 = arith.constant 2 : i32
      %mul3A_83 = arith.muli %mul3A_82, %add3A_81 : i32
      %dma_wait3A_84 = arith.constant 0 : i32
      %dma_wait3A_85 = tpu.memref_slice %arg13[%mul3A_83, %dma_wait3A_84] : memref<80x128xi32, #tpu.memory_space<vmem>> -> memref<1x128xi32, #tpu.memory_space<vmem>>
      %dma_wait3A_86 = tpu.memref_squeeze %dma_wait3A_85 : memref<1x128xi32, #tpu.memory_space<vmem>> -> memref<128xi32, #tpu.memory_space<vmem>>
      %dma_wait3A_87 = arith.constant 0 : i32
      %dma_wait3A_88 = arith.constant 0 : i32
      %dma_wait3A_89 = tpu.memref_slice %arg14[%dma_wait3A_87, %dma_wait3A_88] : memref<10240x64xf32, #tpu.memory_space<vmem_shared>> -> memref<10240x64xf32, #tpu.memory_space<vmem_shared>>
      tpu.wait_indirect_dma semaphore(%arg11 : memref<!tpu.dma_semaphore, #tpu.memory_space<semaphore_mem>>) src(%dma_wait3A_89 : memref<10240x64xf32, #tpu.memory_space<vmem_shared>>) dst(%arg9 : memref<128x64xf32, #tpu.memory_space<vmem>>)
      %add3A_90 = arith.constant 1 : i32
      %add3A_91 = arith.addi %mul3A_83, %add3A_90 : i32
      %dma_start3A_92 = arith.constant 0 : i32
      %dma_start3A_93 = tpu.memref_slice %arg13[%add3A_91, %dma_start3A_92] : memref<80x128xi32, #tpu.memory_space<vmem>> -> memref<1x128xi32, #tpu.memory_space<vmem>>
      %dma_start3A_94 = tpu.memref_squeeze %dma_start3A_93 : memref<1x128xi32, #tpu.memory_space<vmem>> -> memref<128xi32, #tpu.memory_space<vmem>>
      %dma_start3A_95 = arith.constant 0 : i32
      %dma_start3A_96 = arith.constant 0 : i32
      %dma_start3A_97 = tpu.memref_slice %arg14[%dma_start3A_95, %dma_start3A_96] : memref<10240x64xf32, #tpu.memory_space<vmem_shared>> -> memref<10240x64xf32, #tpu.memory_space<vmem_shared>>
      tpu.enqueue_indirect_dma source(%dma_start3A_97 : memref<10240x64xf32, #tpu.memory_space<vmem_shared>>) target(%arg10 : memref<128x64xf32, #tpu.memory_space<vmem>>) offsets(%dma_start3A_94 : memref<128xi32, #tpu.memory_space<vmem>>) semaphore(%arg12 : memref<!tpu.dma_semaphore, #tpu.memory_space<semaphore_mem>>)
      "tpu.region"() ({
        %run_scoped3A_116 = tpu.sem_alloc : memref<!tpu.dma_semaphore, #tpu.memory_space<semaphore_mem>>
        %dma_start3A_117 = arith.constant 0 : i32
        %dma_start3A_118 = tpu.memref_slice %arg8[%mul3A_83, %dma_start3A_117] : memref<80x128xi32, #tpu.memory_space<vmem>> -> memref<1x128xi32, #tpu.memory_space<vmem>>
        %dma_start3A_119 = tpu.memref_squeeze %dma_start3A_118 : memref<1x128xi32, #tpu.memory_space<vmem>> -> memref<128xi32, #tpu.memory_space<vmem>>
        %dma_start3A_120 = arith.constant 0 : i32
        %dma_start3A_121 = arith.constant 0 : i32
        %dma_start3A_122 = tpu.memref_slice %arg7[%dma_start3A_120, %dma_start3A_121] : memref<10240x64xf32, #tpu.memory_space<vmem_shared>> -> memref<10240x64xf32, #tpu.memory_space<vmem_shared>>
        tpu.enqueue_indirect_dma source(%arg9 : memref<128x64xf32, #tpu.memory_space<vmem>>) target(%dma_start3A_122 : memref<10240x64xf32, #tpu.memory_space<vmem_shared>>) offsets(%dma_start3A_119 : memref<128xi32, #tpu.memory_space<vmem>>) semaphore(%run_scoped3A_116 : memref<!tpu.dma_semaphore, #tpu.memory_space<semaphore_mem>>) {add = true}
        %dma_wait3A_123 = arith.constant 0 : i32
        %dma_wait3A_124 = tpu.memref_slice %arg8[%mul3A_83, %dma_wait3A_123] : memref<80x128xi32, #tpu.memory_space<vmem>> -> memref<1x128xi32, #tpu.memory_space<vmem>>
        %dma_wait3A_125 = tpu.memref_squeeze %dma_wait3A_124 : memref<1x128xi32, #tpu.memory_space<vmem>> -> memref<128xi32, #tpu.memory_space<vmem>>
        %dma_wait3A_126 = arith.constant 0 : i32
        %dma_wait3A_127 = arith.constant 0 : i32
        %dma_wait3A_128 = tpu.memref_slice %arg7[%dma_wait3A_126, %dma_wait3A_127] : memref<10240x64xf32, #tpu.memory_space<vmem_shared>> -> memref<10240x64xf32, #tpu.memory_space<vmem_shared>>
        tpu.wait_indirect_dma semaphore(%run_scoped3A_116 : memref<!tpu.dma_semaphore, #tpu.memory_space<semaphore_mem>>) src(%arg9 : memref<128x64xf32, #tpu.memory_space<vmem>>) dst(%dma_wait3A_128 : memref<10240x64xf32, #tpu.memory_space<vmem_shared>>)
        tpu.yield
      }) : () -> ()
      %add3A_98 = arith.constant 1 : i32
      %add3A_99 = arith.addi %mul3A_83, %add3A_98 : i32
      %dma_wait3A_100 = arith.constant 0 : i32
      %dma_wait3A_101 = tpu.memref_slice %arg13[%add3A_99, %dma_wait3A_100] : memref<80x128xi32, #tpu.memory_space<vmem>> -> memref<1x128xi32, #tpu.memory_space<vmem>>
      %dma_wait3A_102 = tpu.memref_squeeze %dma_wait3A_101 : memref<1x128xi32, #tpu.memory_space<vmem>> -> memref<128xi32, #tpu.memory_space<vmem>>
      %dma_wait3A_103 = arith.constant 0 : i32
      %dma_wait3A_104 = arith.constant 0 : i32
      %dma_wait3A_105 = tpu.memref_slice %arg14[%dma_wait3A_103, %dma_wait3A_104] : memref<10240x64xf32, #tpu.memory_space<vmem_shared>> -> memref<10240x64xf32, #tpu.memory_space<vmem_shared>>
      tpu.wait_indirect_dma semaphore(%arg12 : memref<!tpu.dma_semaphore, #tpu.memory_space<semaphore_mem>>) src(%dma_wait3A_105 : memref<10240x64xf32, #tpu.memory_space<vmem_shared>>) dst(%arg10 : memref<128x64xf32, #tpu.memory_space<vmem>>)
      %add3A_106 = arith.constant 2 : i32
      %add3A_107 = arith.addi %mul3A_83, %add3A_106 : i32
      %dma_start3A_108 = arith.constant 0 : i32
      %dma_start3A_109 = tpu.memref_slice %arg13[%add3A_107, %dma_start3A_108] : memref<80x128xi32, #tpu.memory_space<vmem>> -> memref<1x128xi32, #tpu.memory_space<vmem>>
      %dma_start3A_110 = tpu.memref_squeeze %dma_start3A_109 : memref<1x128xi32, #tpu.memory_space<vmem>> -> memref<128xi32, #tpu.memory_space<vmem>>
      %dma_start3A_111 = arith.constant 0 : i32
      %dma_start3A_112 = arith.constant 0 : i32
      %dma_start3A_113 = tpu.memref_slice %arg14[%dma_start3A_111, %dma_start3A_112] : memref<10240x64xf32, #tpu.memory_space<vmem_shared>> -> memref<10240x64xf32, #tpu.memory_space<vmem_shared>>
      tpu.enqueue_indirect_dma source(%dma_start3A_113 : memref<10240x64xf32, #tpu.memory_space<vmem_shared>>) target(%arg9 : memref<128x64xf32, #tpu.memory_space<vmem>>) offsets(%dma_start3A_110 : memref<128xi32, #tpu.memory_space<vmem>>) semaphore(%arg11 : memref<!tpu.dma_semaphore, #tpu.memory_space<semaphore_mem>>)
      %add3A_114 = arith.constant 1 : i32
      %add3A_115 = arith.addi %mul3A_83, %add3A_114 : i32
      "tpu.region"() ({
        %run_scoped3A_116 = tpu.sem_alloc : memref<!tpu.dma_semaphore, #tpu.memory_space<semaphore_mem>>
        %dma_start3A_117 = arith.constant 0 : i32
        %dma_start3A_118 = tpu.memref_slice %arg8[%add3A_115, %dma_start3A_117] : memref<80x128xi32, #tpu.memory_space<vmem>> -> memref<1x128xi32, #tpu.memory_space<vmem>>
        %dma_start3A_119 = tpu.memref_squeeze %dma_start3A_118 : memref<1x128xi32, #tpu.memory_space<vmem>> -> memref<128xi32, #tpu.memory_space<vmem>>
        %dma_start3A_120 = arith.constant 0 : i32
        %dma_start3A_121 = arith.constant 0 : i32
        %dma_start3A_122 = tpu.memref_slice %arg7[%dma_start3A_120, %dma_start3A_121] : memref<10240x64xf32, #tpu.memory_space<vmem_shared>> -> memref<10240x64xf32, #tpu.memory_space<vmem_shared>>
        tpu.enqueue_indirect_dma source(%arg10 : memref<128x64xf32, #tpu.memory_space<vmem>>) target(%dma_start3A_122 : memref<10240x64xf32, #tpu.memory_space<vmem_shared>>) offsets(%dma_start3A_119 : memref<128xi32, #tpu.memory_space<vmem>>) semaphore(%run_scoped3A_116 : memref<!tpu.dma_semaphore, #tpu.memory_space<semaphore_mem>>) {add = true}
        %dma_wait3A_123 = arith.constant 0 : i32
        %dma_wait3A_124 = tpu.memref_slice %arg8[%add3A_115, %dma_wait3A_123] : memref<80x128xi32, #tpu.memory_space<vmem>> -> memref<1x128xi32, #tpu.memory_space<vmem>>
        %dma_wait3A_125 = tpu.memref_squeeze %dma_wait3A_124 : memref<1x128xi32, #tpu.memory_space<vmem>> -> memref<128xi32, #tpu.memory_space<vmem>>
        %dma_wait3A_126 = arith.constant 0 : i32
        %dma_wait3A_127 = arith.constant 0 : i32
        %dma_wait3A_128 = tpu.memref_slice %arg7[%dma_wait3A_126, %dma_wait3A_127] : memref<10240x64xf32, #tpu.memory_space<vmem_shared>> -> memref<10240x64xf32, #tpu.memory_space<vmem_shared>>
        tpu.wait_indirect_dma semaphore(%run_scoped3A_116 : memref<!tpu.dma_semaphore, #tpu.memory_space<semaphore_mem>>) src(%arg10 : memref<128x64xf32, #tpu.memory_space<vmem>>) dst(%dma_wait3A_128 : memref<10240x64xf32, #tpu.memory_space<vmem_shared>>)
        tpu.yield
      }) : () -> ()
    }
    %scan3A_52 = arith.constant 39 : i32
    %dma_wait3A_53 = arith.constant 78 : i32
    %dma_wait3A_54 = arith.constant 0 : i32
    %dma_wait3A_55 = tpu.memref_slice %arg13[%dma_wait3A_53, %dma_wait3A_54] : memref<80x128xi32, #tpu.memory_space<vmem>> -> memref<1x128xi32, #tpu.memory_space<vmem>>
    %dma_wait3A_56 = tpu.memref_squeeze %dma_wait3A_55 : memref<1x128xi32, #tpu.memory_space<vmem>> -> memref<128xi32, #tpu.memory_space<vmem>>
    %dma_wait3A_57 = arith.constant 0 : i32
    %dma_wait3A_58 = arith.constant 0 : i32
    %dma_wait3A_59 = tpu.memref_slice %arg14[%dma_wait3A_57, %dma_wait3A_58] : memref<10240x64xf32, #tpu.memory_space<vmem_shared>> -> memref<10240x64xf32, #tpu.memory_space<vmem_shared>>
    tpu.wait_indirect_dma semaphore(%arg11 : memref<!tpu.dma_semaphore, #tpu.memory_space<semaphore_mem>>) src(%dma_wait3A_59 : memref<10240x64xf32, #tpu.memory_space<vmem_shared>>) dst(%arg9 : memref<128x64xf32, #tpu.memory_space<vmem>>)
    %dma_start3A_60 = arith.constant 79 : i32
    %dma_start3A_61 = arith.constant 0 : i32
    %dma_start3A_62 = tpu.memref_slice %arg13[%dma_start3A_60, %dma_start3A_61] : memref<80x128xi32, #tpu.memory_space<vmem>> -> memref<1x128xi32, #tpu.memory_space<vmem>>
    %dma_start3A_63 = tpu.memref_squeeze %dma_start3A_62 : memref<1x128xi32, #tpu.memory_space<vmem>> -> memref<128xi32, #tpu.memory_space<vmem>>
    %dma_start3A_64 = arith.constant 0 : i32
    %dma_start3A_65 = arith.constant 0 : i32
    %dma_start3A_66 = tpu.memref_slice %arg14[%dma_start3A_64, %dma_start3A_65] : memref<10240x64xf32, #tpu.memory_space<vmem_shared>> -> memref<10240x64xf32, #tpu.memory_space<vmem_shared>>
    tpu.enqueue_indirect_dma source(%dma_start3A_66 : memref<10240x64xf32, #tpu.memory_space<vmem_shared>>) target(%arg10 : memref<128x64xf32, #tpu.memory_space<vmem>>) offsets(%dma_start3A_63 : memref<128xi32, #tpu.memory_space<vmem>>) semaphore(%arg12 : memref<!tpu.dma_semaphore, #tpu.memory_space<semaphore_mem>>)
    %run_scoped3A_67 = arith.constant 78 : i32
    "tpu.region"() ({
      %run_scoped3A_77 = tpu.sem_alloc : memref<!tpu.dma_semaphore, #tpu.memory_space<semaphore_mem>>
      %dma_start3A_78 = arith.constant 0 : i32
      %dma_start3A_79 = tpu.memref_slice %arg8[%run_scoped3A_67, %dma_start3A_78] : memref<80x128xi32, #tpu.memory_space<vmem>> -> memref<1x128xi32, #tpu.memory_space<vmem>>
      %dma_start3A_80 = tpu.memref_squeeze %dma_start3A_79 : memref<1x128xi32, #tpu.memory_space<vmem>> -> memref<128xi32, #tpu.memory_space<vmem>>
      %dma_start3A_81 = arith.constant 0 : i32
      %dma_start3A_82 = arith.constant 0 : i32
      %dma_start3A_83 = tpu.memref_slice %arg7[%dma_start3A_81, %dma_start3A_82] : memref<10240x64xf32, #tpu.memory_space<vmem_shared>> -> memref<10240x64xf32, #tpu.memory_space<vmem_shared>>
      tpu.enqueue_indirect_dma source(%arg9 : memref<128x64xf32, #tpu.memory_space<vmem>>) target(%dma_start3A_83 : memref<10240x64xf32, #tpu.memory_space<vmem_shared>>) offsets(%dma_start3A_80 : memref<128xi32, #tpu.memory_space<vmem>>) semaphore(%run_scoped3A_77 : memref<!tpu.dma_semaphore, #tpu.memory_space<semaphore_mem>>) {add = true}
      %dma_wait3A_84 = arith.constant 0 : i32
      %dma_wait3A_85 = tpu.memref_slice %arg8[%run_scoped3A_67, %dma_wait3A_84] : memref<80x128xi32, #tpu.memory_space<vmem>> -> memref<1x128xi32, #tpu.memory_space<vmem>>
      %dma_wait3A_86 = tpu.memref_squeeze %dma_wait3A_85 : memref<1x128xi32, #tpu.memory_space<vmem>> -> memref<128xi32, #tpu.memory_space<vmem>>
      %dma_wait3A_87 = arith.constant 0 : i32
      %dma_wait3A_88 = arith.constant 0 : i32
      %dma_wait3A_89 = tpu.memref_slice %arg7[%dma_wait3A_87, %dma_wait3A_88] : memref<10240x64xf32, #tpu.memory_space<vmem_shared>> -> memref<10240x64xf32, #tpu.memory_space<vmem_shared>>
      tpu.wait_indirect_dma semaphore(%run_scoped3A_77 : memref<!tpu.dma_semaphore, #tpu.memory_space<semaphore_mem>>) src(%arg9 : memref<128x64xf32, #tpu.memory_space<vmem>>) dst(%dma_wait3A_89 : memref<10240x64xf32, #tpu.memory_space<vmem_shared>>)
      tpu.yield
    }) : () -> ()
    %dma_wait3A_68 = arith.constant 79 : i32
    %dma_wait3A_69 = arith.constant 0 : i32
    %dma_wait3A_70 = tpu.memref_slice %arg13[%dma_wait3A_68, %dma_wait3A_69] : memref<80x128xi32, #tpu.memory_space<vmem>> -> memref<1x128xi32, #tpu.memory_space<vmem>>
    %dma_wait3A_71 = tpu.memref_squeeze %dma_wait3A_70 : memref<1x128xi32, #tpu.memory_space<vmem>> -> memref<128xi32, #tpu.memory_space<vmem>>
    %dma_wait3A_72 = arith.constant 0 : i32
    %dma_wait3A_73 = arith.constant 0 : i32
    %dma_wait3A_74 = tpu.memref_slice %arg14[%dma_wait3A_72, %dma_wait3A_73] : memref<10240x64xf32, #tpu.memory_space<vmem_shared>> -> memref<10240x64xf32, #tpu.memory_space<vmem_shared>>
    tpu.wait_indirect_dma semaphore(%arg12 : memref<!tpu.dma_semaphore, #tpu.memory_space<semaphore_mem>>) src(%dma_wait3A_74 : memref<10240x64xf32, #tpu.memory_space<vmem_shared>>) dst(%arg10 : memref<128x64xf32, #tpu.memory_space<vmem>>)
    %run_scoped3A_75 = arith.constant 79 : i32
    "tpu.region"() ({
      %run_scoped3A_77 = tpu.sem_alloc : memref<!tpu.dma_semaphore, #tpu.memory_space<semaphore_mem>>
      %dma_start3A_78 = arith.constant 0 : i32
      %dma_start3A_79 = tpu.memref_slice %arg8[%run_scoped3A_75, %dma_start3A_78] : memref<80x128xi32, #tpu.memory_space<vmem>> -> memref<1x128xi32, #tpu.memory_space<vmem>>
      %dma_start3A_80 = tpu.memref_squeeze %dma_start3A_79 : memref<1x128xi32, #tpu.memory_space<vmem>> -> memref<128xi32, #tpu.memory_space<vmem>>
      %dma_start3A_81 = arith.constant 0 : i32
      %dma_start3A_82 = arith.constant 0 : i32
      %dma_start3A_83 = tpu.memref_slice %arg7[%dma_start3A_81, %dma_start3A_82] : memref<10240x64xf32, #tpu.memory_space<vmem_shared>> -> memref<10240x64xf32, #tpu.memory_space<vmem_shared>>
      tpu.enqueue_indirect_dma source(%arg10 : memref<128x64xf32, #tpu.memory_space<vmem>>) target(%dma_start3A_83 : memref<10240x64xf32, #tpu.memory_space<vmem_shared>>) offsets(%dma_start3A_80 : memref<128xi32, #tpu.memory_space<vmem>>) semaphore(%run_scoped3A_77 : memref<!tpu.dma_semaphore, #tpu.memory_space<semaphore_mem>>) {add = true}
      %dma_wait3A_84 = arith.constant 0 : i32
      %dma_wait3A_85 = tpu.memref_slice %arg8[%run_scoped3A_75, %dma_wait3A_84] : memref<80x128xi32, #tpu.memory_space<vmem>> -> memref<1x128xi32, #tpu.memory_space<vmem>>
      %dma_wait3A_86 = tpu.memref_squeeze %dma_wait3A_85 : memref<1x128xi32, #tpu.memory_space<vmem>> -> memref<128xi32, #tpu.memory_space<vmem>>
      %dma_wait3A_87 = arith.constant 0 : i32
      %dma_wait3A_88 = arith.constant 0 : i32
      %dma_wait3A_89 = tpu.memref_slice %arg7[%dma_wait3A_87, %dma_wait3A_88] : memref<10240x64xf32, #tpu.memory_space<vmem_shared>> -> memref<10240x64xf32, #tpu.memory_space<vmem_shared>>
      tpu.wait_indirect_dma semaphore(%run_scoped3A_77 : memref<!tpu.dma_semaphore, #tpu.memory_space<semaphore_mem>>) src(%arg10 : memref<128x64xf32, #tpu.memory_space<vmem>>) dst(%dma_wait3A_89 : memref<10240x64xf32, #tpu.memory_space<vmem_shared>>)
      tpu.yield
    }) : () -> ()
    %barrier3A_76 = arith.constant 0 : index
    tpu.barrier barrier_id(%barrier3A_76)
    "tpu.region"() ({
      %run_scoped3A_77 = tpu.sem_alloc : memref<!tpu.dma_semaphore, #tpu.memory_space<semaphore_mem>>
      %dma_start3A_78 = arith.constant 0 : i32
      %dma_start3A_79 = tpu.memref_slice %arg6[%arg0, %mul3A_0, %dma_start3A_78] : memref<2x10240x64xf32, #tpu.memory_space<hbm>> -> memref<1x640x64xf32, #tpu.memory_space<hbm>>
      %dma_start3A_80 = tpu.memref_squeeze %dma_start3A_79 : memref<1x640x64xf32, #tpu.memory_space<hbm>> -> memref<640x64xf32, #tpu.memory_space<hbm>>
      %dma_start3A_81 = arith.constant 0 : i32
      %dma_start3A_82 = tpu.memref_slice %arg7[%mul3A_0, %dma_start3A_81] : memref<10240x64xf32, #tpu.memory_space<vmem_shared>> -> memref<640x64xf32, #tpu.memory_space<vmem_shared>>
      tpu.enqueue_dma source(%dma_start3A_82 : memref<640x64xf32, #tpu.memory_space<vmem_shared>>) target(%dma_start3A_80 : memref<640x64xf32, #tpu.memory_space<hbm>>) target_semaphore(%run_scoped3A_77 : memref<!tpu.dma_semaphore, #tpu.memory_space<semaphore_mem>>)
      %dma_wait3A_83 = arith.constant 0 : i32
      %dma_wait3A_84 = tpu.memref_slice %arg6[%arg0, %mul3A_0, %dma_wait3A_83] : memref<2x10240x64xf32, #tpu.memory_space<hbm>> -> memref<1x640x64xf32, #tpu.memory_space<hbm>>
      %dma_wait3A_85 = tpu.memref_squeeze %dma_wait3A_84 : memref<1x640x64xf32, #tpu.memory_space<hbm>> -> memref<640x64xf32, #tpu.memory_space<hbm>>
      %dma_wait3A_86 = arith.constant 0 : i32
      %dma_wait3A_87 = tpu.memref_slice %arg7[%mul3A_0, %dma_wait3A_86] : memref<10240x64xf32, #tpu.memory_space<vmem_shared>> -> memref<640x64xf32, #tpu.memory_space<vmem_shared>>
      tpu.wait_dma2 semaphore(%run_scoped3A_77 : memref<!tpu.dma_semaphore, #tpu.memory_space<semaphore_mem>>) src(%dma_wait3A_87 : memref<640x64xf32, #tpu.memory_space<vmem_shared>>) dst(%dma_wait3A_85 : memref<640x64xf32, #tpu.memory_space<hbm>>)
      tpu.yield
    }) : () -> ()
    return
  }
}

module attributes {stable_mosaic.version = 14 : i64} {
  func.func @_prep_body(%arg0: i32, %arg1: memref<1280x128xf32, #tpu.memory_space<vmem>>, %arg2: memref<128x128xf32, #tpu.memory_space<vmem>>, %arg3: memref<2x1280x1xf32, #tpu.memory_space<vmem>>, %arg4: memref<2x1280x64xf32, #tpu.memory_space<vmem>>, %arg5: memref<1280x1xf32, #tpu.memory_space<vmem>>) attributes {dimension_semantics = [#tpu.dimension_semantics<arbitrary>], iteration_bounds = array<i64: 8>, scalar_prefetch = 0 : i64, scratch_operands = 0 : i64, tpu.core_type = #tpu.core_type<tc>, window_params = [{transform_indices = @transform_0, window_bounds = array<i64: 1280, 128>}, {pipeline_mode = #tpu.pipeline_mode<synchronous>, transform_indices = @transform_1, window_bounds = array<i64: 128, 128>}, {transform_indices = @transform_2, window_bounds = array<i64: 2, 1280, 1>}, {transform_indices = @transform_3, window_bounds = array<i64: 2, 1280, 64>}, {transform_indices = @transform_4, window_bounds = array<i64: 1280, 1>}]} {
    %get3A = arith.constant 0 : index
    %get3A_0 = arith.constant 0 : index
    %get3A_1 = vector.load %arg1[%get3A, %get3A_0] : memref<1280x128xf32, #tpu.memory_space<vmem>>, vector<1280x128xf32>
    %get3A_2 = arith.constant 0 : index
    %get3A_3 = arith.constant 0 : index
    %get3A_4 = vector.load %arg2[%get3A_2, %get3A_3] : memref<128x128xf32, #tpu.memory_space<vmem>>, vector<128x128xf32>
    %dot_general3A = arith.constant dense<0.000000e+00> : vector<1280x128xf32>
    %dot_general3A_5 = tpu.matmul %get3A_1, %get3A_4, %dot_general3A {dimension_numbers = #tpu.dot_dimension_numbers<[1], [0], [0], [1], [0, 0, 1, 1], [], []>, transpose_lhs_hint = false} : vector<1280x128xf32>, vector<128x128xf32>, vector<1280x128xf32> -> vector<1280x128xf32>
    %get3A_6 = arith.constant 0 : index
    %get3A_7 = arith.constant 0 : index
    %get3A_8 = arith.constant 0 : index
    %get3A_9 = vector.load %arg3[%get3A_6, %get3A_7, %get3A_8] : memref<2x1280x1xf32, #tpu.memory_space<vmem>>, vector<2x1280x1xf32>
    %slice3A = vector.extract_strided_slice %get3A_9 {offsets = [0, 0, 0], sizes = [1, 1280, 1], strides = [1, 1, 1]} : vector<2x1280x1xf32> to vector<1x1280x1xf32>
    %squeeze3A = vector.shape_cast %slice3A : vector<1x1280x1xf32> to vector<1280x1xf32>
    %add3A = arith.constant 1.000000e+00 : f32
    %add3A_10 = vector.broadcast %add3A : f32 to vector<1280x1xf32>
    %add3A_11 = arith.addf %add3A_10, %squeeze3A : vector<1280x1xf32>
    %slice3A_12 = vector.extract_strided_slice %get3A_9 {offsets = [1, 0, 0], sizes = [1, 1280, 1], strides = [1, 1, 1]} : vector<2x1280x1xf32> to vector<1x1280x1xf32>
    %squeeze3A_13 = vector.shape_cast %slice3A_12 : vector<1x1280x1xf32> to vector<1280x1xf32>
    %add3A_14 = arith.addf %add3A_11, %squeeze3A_13 : vector<1280x1xf32>
    %rsqrt3A = math.rsqrt %add3A_14 : vector<1280x1xf32>
    %mul3A = vector.broadcast %rsqrt3A : vector<1280x1xf32> to vector<1280x128xf32>
    %mul3A_15 = arith.mulf %mul3A, %dot_general3A_5 : vector<1280x128xf32>
    %slice3A_16 = vector.extract_strided_slice %mul3A_15 {offsets = [0, 0], sizes = [1280, 64], strides = [1, 1]} : vector<1280x128xf32> to vector<1280x64xf32>
    %swap3A = arith.constant 0 : index
    %swap3A_17 = arith.constant 0 : index
    %swap3A_18 = arith.constant 0 : index
    %swap3A_19 = vector.load %arg4[%swap3A, %swap3A_17, %swap3A_18] : memref<2x1280x64xf32, #tpu.memory_space<vmem>>, vector<1x1280x64xf32>
    %swap3A_20 = vector.shape_cast %swap3A_19 : vector<1x1280x64xf32> to vector<1280x64xf32>
    %swap3A_21 = vector.shape_cast %slice3A_16 : vector<1280x64xf32> to vector<1x1280x64xf32>
    tpu.vector_store %arg4[%swap3A, %swap3A_17, %swap3A_18], %swap3A_21 {strides = array<i32>} : memref<2x1280x64xf32, #tpu.memory_space<vmem>>, vector<1x1280x64xf32>,
    %slice3A_22 = vector.extract_strided_slice %mul3A_15 {offsets = [0, 64], sizes = [1280, 64], strides = [1, 1]} : vector<1280x128xf32> to vector<1280x64xf32>
    %swap3A_23 = arith.constant 1 : index
    %swap3A_24 = arith.constant 0 : index
    %swap3A_25 = arith.constant 0 : index
    %swap3A_26 = vector.load %arg4[%swap3A_23, %swap3A_24, %swap3A_25] : memref<2x1280x64xf32, #tpu.memory_space<vmem>>, vector<1x1280x64xf32>
    %swap3A_27 = vector.shape_cast %swap3A_26 : vector<1x1280x64xf32> to vector<1280x64xf32>
    %swap3A_28 = vector.shape_cast %slice3A_22 : vector<1280x64xf32> to vector<1x1280x64xf32>
    tpu.vector_store %arg4[%swap3A_23, %swap3A_24, %swap3A_25], %swap3A_28 {strides = array<i32>} : memref<2x1280x64xf32, #tpu.memory_space<vmem>>, vector<1x1280x64xf32>,
    %swap3A_29 = arith.constant 0 : index
    %swap3A_30 = arith.constant 0 : index
    %swap3A_31 = vector.load %arg5[%swap3A_29, %swap3A_30] : memref<1280x1xf32, #tpu.memory_space<vmem>>, vector<1280x1xf32>
    tpu.vector_store %arg5[%swap3A_29, %swap3A_30], %rsqrt3A {strides = array<i32>} : memref<1280x1xf32, #tpu.memory_space<vmem>>, vector<1280x1xf32>,
    return
  }
  func.func @transform_0(%arg0: i32) -> (i32, i32) {
    %c0_i32 = arith.constant 0 : i32
    %c0_i32_0 = arith.constant 0 : i32
    return %arg0, %c0_i32 : i32, i32
  }
  func.func @transform_1(%arg0: i32) -> (i32, i32) {
    %c0_i32 = arith.constant 0 : i32
    %c0_i32_0 = arith.constant 0 : i32
    %c0_i32_1 = arith.constant 0 : i32
    return %c0_i32, %c0_i32_0 : i32, i32
  }
  func.func @transform_2(%arg0: i32) -> (i32, i32, i32) {
    %c0_i32 = arith.constant 0 : i32
    %c0_i32_0 = arith.constant 0 : i32
    %c0_i32_1 = arith.constant 0 : i32
    return %c0_i32, %arg0, %c0_i32_0 : i32, i32, i32
  }
  func.func @transform_3(%arg0: i32) -> (i32, i32, i32) {
    %c0_i32 = arith.constant 0 : i32
    %c0_i32_0 = arith.constant 0 : i32
    %c0_i32_1 = arith.constant 0 : i32
    return %c0_i32, %arg0, %c0_i32_0 : i32, i32, i32
  }
  func.func @transform_4(%arg0: i32) -> (i32, i32) {
    %c0_i32 = arith.constant 0 : i32
    %c0_i32_0 = arith.constant 0 : i32
    return %arg0, %c0_i32 : i32, i32
  }
}

module attributes {stable_mosaic.version = 14 : i64} {
  func.func @_mid_body(%arg0: i32, %arg1: memref<2x1280x64xf32, #tpu.memory_space<vmem>>, %arg2: memref<2x1280x64xf32, #tpu.memory_space<vmem>>, %arg3: memref<1280x1xf32, #tpu.memory_space<vmem>>, %arg4: memref<1x128xf32, #tpu.memory_space<vmem>>, %arg5: memref<128x128xf32, #tpu.memory_space<vmem>>, %arg6: memref<2x1280x64xf32, #tpu.memory_space<vmem>>) attributes {dimension_semantics = [#tpu.dimension_semantics<arbitrary>], iteration_bounds = array<i64: 8>, scalar_prefetch = 0 : i64, scratch_operands = 0 : i64, tpu.core_type = #tpu.core_type<tc>, window_params = [{transform_indices = @transform_0, window_bounds = array<i64: 2, 1280, 64>}, {transform_indices = @transform_1, window_bounds = array<i64: 2, 1280, 64>}, {transform_indices = @transform_2, window_bounds = array<i64: 1280, 1>}, {pipeline_mode = #tpu.pipeline_mode<synchronous>, transform_indices = @transform_3, window_bounds = array<i64: 1, 128>}, {pipeline_mode = #tpu.pipeline_mode<synchronous>, transform_indices = @transform_4, window_bounds = array<i64: 128, 128>}, {transform_indices = @transform_5, window_bounds = array<i64: 2, 1280, 64>}]} {
    %get3A = arith.constant 0 : index
    %get3A_0 = arith.constant 0 : index
    %get3A_1 = vector.load %arg3[%get3A, %get3A_0] : memref<1280x1xf32, #tpu.memory_space<vmem>>, vector<1280x1xf32>
    %get3A_2 = arith.constant 0 : index
    %get3A_3 = arith.constant 0 : index
    %get3A_4 = arith.constant 0 : index
    %get3A_5 = vector.load %arg1[%get3A_2, %get3A_3, %get3A_4] : memref<2x1280x64xf32, #tpu.memory_space<vmem>>, vector<2x1280x64xf32>
    %slice3A = vector.extract_strided_slice %get3A_5 {offsets = [0, 0, 0], sizes = [1, 1280, 64], strides = [1, 1, 1]} : vector<2x1280x64xf32> to vector<1x1280x64xf32>
    %squeeze3A = vector.shape_cast %slice3A : vector<1x1280x64xf32> to vector<1280x64xf32>
    %slice3A_6 = vector.extract_strided_slice %get3A_5 {offsets = [1, 0, 0], sizes = [1, 1280, 64], strides = [1, 1, 1]} : vector<2x1280x64xf32> to vector<1x1280x64xf32>
    %squeeze3A_7 = vector.shape_cast %slice3A_6 : vector<1x1280x64xf32> to vector<1280x64xf32>
    %concatenate3A = tpu.concatenate %squeeze3A, %squeeze3A_7 in 1 : vector<1280x64xf32>, vector<1280x64xf32> -> vector<1280x128xf32>
    %get3A_8 = arith.constant 0 : index
    %get3A_9 = arith.constant 0 : index
    %get3A_10 = arith.constant 0 : index
    %get3A_11 = vector.load %arg2[%get3A_8, %get3A_9, %get3A_10] : memref<2x1280x64xf32, #tpu.memory_space<vmem>>, vector<2x1280x64xf32>
    %slice3A_12 = vector.extract_strided_slice %get3A_11 {offsets = [0, 0, 0], sizes = [1, 1280, 64], strides = [1, 1, 1]} : vector<2x1280x64xf32> to vector<1x1280x64xf32>
    %squeeze3A_13 = vector.shape_cast %slice3A_12 : vector<1x1280x64xf32> to vector<1280x64xf32>
    %slice3A_14 = vector.extract_strided_slice %get3A_11 {offsets = [1, 0, 0], sizes = [1, 1280, 64], strides = [1, 1, 1]} : vector<2x1280x64xf32> to vector<1x1280x64xf32>
    %squeeze3A_15 = vector.shape_cast %slice3A_14 : vector<1x1280x64xf32> to vector<1280x64xf32>
    %concatenate3A_16 = tpu.concatenate %squeeze3A_13, %squeeze3A_15 in 1 : vector<1280x64xf32>, vector<1280x64xf32> -> vector<1280x128xf32>
    %add3A = arith.addf %concatenate3A, %concatenate3A_16 : vector<1280x128xf32>
    %mul3A = vector.broadcast %get3A_1 : vector<1280x1xf32> to vector<1280x128xf32>
    %mul3A_17 = arith.mulf %mul3A, %add3A : vector<1280x128xf32>
    %get3A_18 = arith.constant 0 : index
    %get3A_19 = arith.constant 0 : index
    %get3A_20 = vector.load %arg4[%get3A_18, %get3A_19] : memref<1x128xf32, #tpu.memory_space<vmem>>, vector<1x128xf32>
    %add3A_21 = vector.broadcast %get3A_20 : vector<1x128xf32> to vector<1280x128xf32>
    %add3A_22 = arith.addf %mul3A_17, %add3A_21 : vector<1280x128xf32>
    %max3A = arith.constant 0.000000e+00 : f32
    %max3A_23 = vector.broadcast %max3A : f32 to vector<1280x128xf32>
    %max3A_24 = arith.maximumf %add3A_22, %max3A_23 : vector<1280x128xf32>
    %get3A_25 = arith.constant 0 : index
    %get3A_26 = arith.constant 0 : index
    %get3A_27 = vector.load %arg5[%get3A_25, %get3A_26] : memref<128x128xf32, #tpu.memory_space<vmem>>, vector<128x128xf32>
    %dot_general3A = arith.constant dense<0.000000e+00> : vector<1280x128xf32>
    %dot_general3A_28 = tpu.matmul %max3A_24, %get3A_27, %dot_general3A {dimension_numbers = #tpu.dot_dimension_numbers<[1], [0], [0], [1], [0, 0, 1, 1], [], []>, transpose_lhs_hint = false} : vector<1280x128xf32>, vector<128x128xf32>, vector<1280x128xf32> -> vector<1280x128xf32>
    %mul3A_29 = vector.broadcast %get3A_1 : vector<1280x1xf32> to vector<1280x128xf32>
    %mul3A_30 = arith.mulf %mul3A_29, %dot_general3A_28 : vector<1280x128xf32>
    %slice3A_31 = vector.extract_strided_slice %mul3A_30 {offsets = [0, 0], sizes = [1280, 64], strides = [1, 1]} : vector<1280x128xf32> to vector<1280x64xf32>
    %swap3A = arith.constant 0 : index
    %swap3A_32 = arith.constant 0 : index
    %swap3A_33 = arith.constant 0 : index
    %swap3A_34 = vector.load %arg6[%swap3A, %swap3A_32, %swap3A_33] : memref<2x1280x64xf32, #tpu.memory_space<vmem>>, vector<1x1280x64xf32>
    %swap3A_35 = vector.shape_cast %swap3A_34 : vector<1x1280x64xf32> to vector<1280x64xf32>
    %swap3A_36 = vector.shape_cast %slice3A_31 : vector<1280x64xf32> to vector<1x1280x64xf32>
    tpu.vector_store %arg6[%swap3A, %swap3A_32, %swap3A_33], %swap3A_36 {strides = array<i32>} : memref<2x1280x64xf32, #tpu.memory_space<vmem>>, vector<1x1280x64xf32>,
    %slice3A_37 = vector.extract_strided_slice %mul3A_30 {offsets = [0, 64], sizes = [1280, 64], strides = [1, 1]} : vector<1280x128xf32> to vector<1280x64xf32>
    %swap3A_38 = arith.constant 1 : index
    %swap3A_39 = arith.constant 0 : index
    %swap3A_40 = arith.constant 0 : index
    %swap3A_41 = vector.load %arg6[%swap3A_38, %swap3A_39, %swap3A_40] : memref<2x1280x64xf32, #tpu.memory_space<vmem>>, vector<1x1280x64xf32>
    %swap3A_42 = vector.shape_cast %swap3A_41 : vector<1x1280x64xf32> to vector<1280x64xf32>
    %swap3A_43 = vector.shape_cast %slice3A_37 : vector<1280x64xf32> to vector<1x1280x64xf32>
    tpu.vector_store %arg6[%swap3A_38, %swap3A_39, %swap3A_40], %swap3A_43 {strides = array<i32>} : memref<2x1280x64xf32, #tpu.memory_space<vmem>>, vector<1x1280x64xf32>,
    return
  }
  func.func @transform_0(%arg0: i32) -> (i32, i32, i32) {
    %c0_i32 = arith.constant 0 : i32
    %c0_i32_0 = arith.constant 0 : i32
    %c0_i32_1 = arith.constant 0 : i32
    return %c0_i32, %arg0, %c0_i32_0 : i32, i32, i32
  }
  func.func @transform_1(%arg0: i32) -> (i32, i32, i32) {
    %c0_i32 = arith.constant 0 : i32
    %c0_i32_0 = arith.constant 0 : i32
    %c0_i32_1 = arith.constant 0 : i32
    return %c0_i32, %arg0, %c0_i32_0 : i32, i32, i32
  }
  func.func @transform_2(%arg0: i32) -> (i32, i32) {
    %c0_i32 = arith.constant 0 : i32
    %c0_i32_0 = arith.constant 0 : i32
    return %arg0, %c0_i32 : i32, i32
  }
  func.func @transform_3(%arg0: i32) -> (i32, i32) {
    %c0_i32 = arith.constant 0 : i32
    %c0_i32_0 = arith.constant 0 : i32
    %c0_i32_1 = arith.constant 0 : i32
    return %c0_i32, %c0_i32_0 : i32, i32
  }
  func.func @transform_4(%arg0: i32) -> (i32, i32) {
    %c0_i32 = arith.constant 0 : i32
    %c0_i32_0 = arith.constant 0 : i32
    %c0_i32_1 = arith.constant 0 : i32
    return %c0_i32, %c0_i32_0 : i32, i32
  }
  func.func @transform_5(%arg0: i32) -> (i32, i32, i32) {
    %c0_i32 = arith.constant 0 : i32
    %c0_i32_0 = arith.constant 0 : i32
    %c0_i32_1 = arith.constant 0 : i32
    return %c0_i32, %arg0, %c0_i32_0 : i32, i32, i32
  }
}

module attributes {stable_mosaic.version = 14 : i64} {
  func.func @_final_body(%arg0: i32, %arg1: memref<2x1280x64xf32, #tpu.memory_space<vmem>>, %arg2: memref<2x1280x64xf32, #tpu.memory_space<vmem>>, %arg3: memref<1280x1xf32, #tpu.memory_space<vmem>>, %arg4: memref<1x128xf32, #tpu.memory_space<vmem>>, %arg5: memref<1x128xf32, #tpu.memory_space<vmem>>, %arg6: memref<1280x128xf32, #tpu.memory_space<vmem>>) attributes {dimension_semantics = [#tpu.dimension_semantics<arbitrary>], iteration_bounds = array<i64: 8>, scalar_prefetch = 0 : i64, scratch_operands = 0 : i64, tpu.core_type = #tpu.core_type<tc>, window_params = [{transform_indices = @transform_0, window_bounds = array<i64: 2, 1280, 64>}, {transform_indices = @transform_1, window_bounds = array<i64: 2, 1280, 64>}, {transform_indices = @transform_2, window_bounds = array<i64: 1280, 1>}, {pipeline_mode = #tpu.pipeline_mode<synchronous>, transform_indices = @transform_3, window_bounds = array<i64: 1, 128>}, {pipeline_mode = #tpu.pipeline_mode<synchronous>, transform_indices = @transform_4, window_bounds = array<i64: 1, 128>}, {transform_indices = @transform_5, window_bounds = array<i64: 1280, 128>}]} {
    %get3A = arith.constant 0 : index
    %get3A_0 = arith.constant 0 : index
    %get3A_1 = vector.load %arg3[%get3A, %get3A_0] : memref<1280x1xf32, #tpu.memory_space<vmem>>, vector<1280x1xf32>
    %get3A_2 = arith.constant 0 : index
    %get3A_3 = arith.constant 0 : index
    %get3A_4 = arith.constant 0 : index
    %get3A_5 = vector.load %arg1[%get3A_2, %get3A_3, %get3A_4] : memref<2x1280x64xf32, #tpu.memory_space<vmem>>, vector<2x1280x64xf32>
    %slice3A = vector.extract_strided_slice %get3A_5 {offsets = [0, 0, 0], sizes = [1, 1280, 64], strides = [1, 1, 1]} : vector<2x1280x64xf32> to vector<1x1280x64xf32>
    %squeeze3A = vector.shape_cast %slice3A : vector<1x1280x64xf32> to vector<1280x64xf32>
    %slice3A_6 = vector.extract_strided_slice %get3A_5 {offsets = [1, 0, 0], sizes = [1, 1280, 64], strides = [1, 1, 1]} : vector<2x1280x64xf32> to vector<1x1280x64xf32>
    %squeeze3A_7 = vector.shape_cast %slice3A_6 : vector<1x1280x64xf32> to vector<1280x64xf32>
    %concatenate3A = tpu.concatenate %squeeze3A, %squeeze3A_7 in 1 : vector<1280x64xf32>, vector<1280x64xf32> -> vector<1280x128xf32>
    %get3A_8 = arith.constant 0 : index
    %get3A_9 = arith.constant 0 : index
    %get3A_10 = arith.constant 0 : index
    %get3A_11 = vector.load %arg2[%get3A_8, %get3A_9, %get3A_10] : memref<2x1280x64xf32, #tpu.memory_space<vmem>>, vector<2x1280x64xf32>
    %slice3A_12 = vector.extract_strided_slice %get3A_11 {offsets = [0, 0, 0], sizes = [1, 1280, 64], strides = [1, 1, 1]} : vector<2x1280x64xf32> to vector<1x1280x64xf32>
    %squeeze3A_13 = vector.shape_cast %slice3A_12 : vector<1x1280x64xf32> to vector<1280x64xf32>
    %slice3A_14 = vector.extract_strided_slice %get3A_11 {offsets = [1, 0, 0], sizes = [1, 1280, 64], strides = [1, 1, 1]} : vector<2x1280x64xf32> to vector<1x1280x64xf32>
    %squeeze3A_15 = vector.shape_cast %slice3A_14 : vector<1x1280x64xf32> to vector<1280x64xf32>
    %concatenate3A_16 = tpu.concatenate %squeeze3A_13, %squeeze3A_15 in 1 : vector<1280x64xf32>, vector<1280x64xf32> -> vector<1280x128xf32>
    %add3A = arith.addf %concatenate3A, %concatenate3A_16 : vector<1280x128xf32>
    %mul3A = vector.broadcast %get3A_1 : vector<1280x1xf32> to vector<1280x128xf32>
    %mul3A_17 = arith.mulf %mul3A, %add3A : vector<1280x128xf32>
    %get3A_18 = arith.constant 0 : index
    %get3A_19 = arith.constant 0 : index
    %get3A_20 = vector.load %arg4[%get3A_18, %get3A_19] : memref<1x128xf32, #tpu.memory_space<vmem>>, vector<1x128xf32>
    %add3A_21 = vector.broadcast %get3A_20 : vector<1x128xf32> to vector<1280x128xf32>
    %add3A_22 = arith.addf %mul3A_17, %add3A_21 : vector<1280x128xf32>
    %get3A_23 = arith.constant 0 : index
    %get3A_24 = arith.constant 0 : index
    %get3A_25 = vector.load %arg5[%get3A_23, %get3A_24] : memref<1x128xf32, #tpu.memory_space<vmem>>, vector<1x128xf32>
    %add3A_26 = vector.broadcast %get3A_25 : vector<1x128xf32> to vector<1280x128xf32>
    %add3A_27 = arith.addf %add3A_22, %add3A_26 : vector<1280x128xf32>
    %max3A = arith.constant 0.000000e+00 : f32
    %max3A_28 = vector.broadcast %max3A : f32 to vector<1280x128xf32>
    %max3A_29 = arith.maximumf %add3A_27, %max3A_28 : vector<1280x128xf32>
    %reduce_max3A = arith.constant dense<0xFF800000> : vector<1280xf32>
    %reduce_max3A_30 = vector.multi_reduction <maximumf>, %max3A_29, %reduce_max3A [1] : vector<1280x128xf32> to vector<1280xf32>
    %broadcast_in_dim3A = vector.shape_cast %reduce_max3A_30 : vector<1280xf32> to vector<1280x1xf32>
    %sub3A = vector.broadcast %broadcast_in_dim3A : vector<1280x1xf32> to vector<1280x128xf32>
    %sub3A_31 = arith.subf %max3A_29, %sub3A : vector<1280x128xf32>
    %exp3A = math.exp %sub3A_31 : vector<1280x128xf32>
    %reduce_sum3A = arith.constant dense<0.000000e+00> : vector<1280xf32>
    %reduce_sum3A_32 = vector.multi_reduction <add>, %exp3A, %reduce_sum3A [1] : vector<1280x128xf32> to vector<1280xf32>
    %broadcast_in_dim3A_33 = vector.shape_cast %reduce_sum3A_32 : vector<1280xf32> to vector<1280x1xf32>
    %log3A = math.log %broadcast_in_dim3A_33 : vector<1280x1xf32>
    %sub3A_34 = vector.broadcast %broadcast_in_dim3A : vector<1280x1xf32> to vector<1280x128xf32>
    %sub3A_35 = arith.subf %max3A_29, %sub3A_34 : vector<1280x128xf32>
    %sub3A_36 = vector.broadcast %log3A : vector<1280x1xf32> to vector<1280x128xf32>
    %sub3A_37 = arith.subf %sub3A_35, %sub3A_36 : vector<1280x128xf32>
    %swap3A = arith.constant 0 : index
    %swap3A_38 = arith.constant 0 : index
    %swap3A_39 = vector.load %arg6[%swap3A, %swap3A_38] : memref<1280x128xf32, #tpu.memory_space<vmem>>, vector<1280x128xf32>
    tpu.vector_store %arg6[%swap3A, %swap3A_38], %sub3A_37 {strides = array<i32>} : memref<1280x128xf32, #tpu.memory_space<vmem>>, vector<1280x128xf32>,
    return
  }
  func.func @transform_0(%arg0: i32) -> (i32, i32, i32) {
    %c0_i32 = arith.constant 0 : i32
    %c0_i32_0 = arith.constant 0 : i32
    %c0_i32_1 = arith.constant 0 : i32
    return %c0_i32, %arg0, %c0_i32_0 : i32, i32, i32
  }
  func.func @transform_1(%arg0: i32) -> (i32, i32, i32) {
    %c0_i32 = arith.constant 0 : i32
    %c0_i32_0 = arith.constant 0 : i32
    %c0_i32_1 = arith.constant 0 : i32
    return %c0_i32, %arg0, %c0_i32_0 : i32, i32, i32
  }
  func.func @transform_2(%arg0: i32) -> (i32, i32) {
    %c0_i32 = arith.constant 0 : i32
    %c0_i32_0 = arith.constant 0 : i32
    return %arg0, %c0_i32 : i32, i32
  }
  func.func @transform_3(%arg0: i32) -> (i32, i32) {
    %c0_i32 = arith.constant 0 : i32
    %c0_i32_0 = arith.constant 0 : i32
    %c0_i32_1 = arith.constant 0 : i32
    return %c0_i32, %c0_i32_0 : i32, i32
  }
  func.func @transform_4(%arg0: i32) -> (i32, i32) {
    %c0_i32 = arith.constant 0 : i32
    %c0_i32_0 = arith.constant 0 : i32
    %c0_i32_1 = arith.constant 0 : i32
    return %c0_i32, %c0_i32_0 : i32, i32
  }
  func.func @transform_5(%arg0: i32) -> (i32, i32) {
    %c0_i32 = arith.constant 0 : i32
    %c0_i32_0 = arith.constant 0 : i32
    return %arg0, %c0_i32 : i32, i32
  }
}

</mosaic_0001>

<sc_bundles>
// kernel: kernel.11.cloned.1.call-start
scs
__scs_entry_jumppad:
0x0: {  	(pc) =	sbr.rel $0x88, $3  }
0x1: {  	(tag) =	ssettag $0x0;
	lr =	simm.s32 $0x1  }
0x2: {  	[smem:$0x3F98] =	sst lr;
	_ =	strace $0xD0000000  }
0x3: {  	_ = 	snop  }
0x4: {  	_ = 	snop  }
0x5: {  	_ = 	snop  }
0x6: {  	_ = 	snop  }
0x7: {  	_ = 	snop  }
__scs_overlays_trampoline_lowered:
0x8: {  	[smem:$0x3FA7] =	sst s0  }
0x9: {  	[smem:$0x3FA8] =	sst s1  }
0xa: {  	[smem:$0x3FA9] =	sst s2  }
0xb: {  	[smem:$0x3FAA] =	sst s3  }
0xc: {  	[smem:$0x3FAB] =	sst s4  }
0xd: {  	[smem:$0x3FAC] =	sst s5  }
0xe: {  	[smem:$0x3FAD] =	sst s6  }
0xf: {  	[smem:$0x3FAE] =	sst s7  }
0x10: {  	[smem:$0x3FAF] =	sst s8  }
0x11: {  	[smem:$0x3FB0] =	sst s9;
	s0 =	simm.s32 @!p0 $0x0  }
0x12: {  	s1 =	sld [smem:$0x3F96];
	s0 =	simm.s32 @p0 $0x1  }
0x13: {  	[smem:$0x3FB1] =	sst s0;
	s0 =	simm.s32 @!p1 $0x0  }
0x14: {  	s2 =	sld [smem:$0x3F95];
	s0 =	simm.s32 @p1 $0x1  }
0x15: {  	[smem:$0x3FB2] =	sst s0;
	s0 =	simm.s32 @!p2 $0x0  }
0x16: {  	s3 =	sld [smem:$0x3FDB];
	s0 =	simm.s32 @p2 $0x1  }
0x17: {  	s4 =	simm.s32 $0x1BF5;
	[smem:$0x3FB4] =	sst s0  }
0x18: {  	s0 =	sld [smem:$0x3F97];
	_ =	swait.ge [sflag:s4], $0x0  }
0x19: {  	s7 =	sld [smem:$0x3F98]  }
0x1a: {  	s8 =	sadd.s32 $0xFFFFE003, lr  }
0x1b: {  	s9 =	sadd.s32 $0xFFFFFEF7, lr;
	s5 =	simm.s32 $0xFFFFFFFF;
	p2 =	slt.u32 s8, $0xFFFFF086  }
0x1c: {  	p1 =	slt.u32 s9, $0xF7A;
	s5 =	simm.s32 @!p2 $0x0  }
0x1d: {  	s5 =	simm.s32 @p1 $0x1;
	p0 =	seq.s32 s7, s2  }
0x1e: {  	s7 =	smul.u32 @!p0 $0xF7A, s2;
	p2 =	seq.s32 @!p0 s5, $0x0  }
0x1f: {  	s9 =	smul.u32 $0xF7A, s1;
	s8 =	simm.s32 @!p0 $0x1BF5;
	p2 =	por !p2, p0  }
0x20: {  	[sflag:s8] =	ssyncset.s32 @!p0 $0xFFFFF086;
	s6 =	sadd.s32 @!p0 s3, s7;
	s7 =	simm.s32 @!p0 $0x108  }
0x21: {  	s3 =	sadd.s32 s3, s9;
	s6 =	sadd.s32 @!p0 $0x88, s6;
	s7 =	simm.s32 @p2 $0x1082  }
0x22: {  	[simem:s7], [sflag:s8] =	dma.local @!p0 [hbm:s6], $0xF7A  }
0x23: {  	s9 =	sor.u32 $0xD0000000, s2;
	s6 =	simm.s32 $0x108;
	_ =	swait.ge @!p0 [sflag:s8], $0x0  }
0x24: {  	s3 =	sadd.s32 $0x88, s3;
	s6 =	simm.s32 @!p1 $0x1082;
	[sflag:s4] =	ssyncset.s32 $0xFFFFF086  }
0x25: {  	[simem:s6], [sflag:s4] =	dma.local [hbm:s3], $0xF7A  }
0x26: {  	[smem:$0x3F98] =	sst s1;
	(tag) =	ssettag s2;
	_ =	strace s9  }
0x27: {  	s1 =	sld [smem:$0x3FA8]  }
0x28: {  	s2 =	sld [smem:$0x3FA9]  }
0x29: {  	s4 =	sld [smem:$0x3FAB]  }
0x2a: {  	p0 =	seq.s32 s5, $0x0;
	s5 =	sld [smem:$0x3FAC]  }
0x2b: {  	s6 =	sld [smem:$0x3FAD]  }
0x2c: {  	s7 =	sld [smem:$0x3FAE]  }
0x2d: {  	s3 =	simm.s32 $0x108;
	s8 =	sld [smem:$0x3FAF]  }
0x2e: {  	s3 =	simm.s32 @!p0 $0x1082;
	s9 =	sld [smem:$0x3FB0]  }
0x2f: {  	lr =	sadd.s32 s0, s3;
	s0 =	sld [smem:$0x3FA7]  }
0x30: {  	s3 =	sld [smem:$0x3FAA]  }
0x31: {  	[smem:$0x3FB3] =	sst s10  }
0x32: {  	s10 =	sld [smem:$0x3FB1];
	_ =	sdelay $0x3  }
0x33: {  	p0 =	seq.s32 s10, $0x1;
	s10 =	sld [smem:$0x3FB3];
	_ =	sdelay $0x3  }
0x34: {  	[smem:$0x3FB3] =	sst s10  }
0x35: {  	s10 =	sld [smem:$0x3FB2];
	_ =	sdelay $0x3  }
0x36: {  	p1 =	seq.s32 s10, $0x1;
	s10 =	sld [smem:$0x3FB3];
	_ =	sdelay $0x3  }
0x37: {  	[smem:$0x3FB3] =	sst s10  }
0x38: {  	s10 =	sld [smem:$0x3FB4]  }
0x39: {  	_ = 	snop;
	(pc) =	sbr.ind lr, $3  }
0x3a: {  	_ = 	snop  }
0x3b: {  	_ = 	snop  }
0x3c: {  	p2 =	seq.s32 s10, $0x1;
	s10 =	sld [smem:$0x3FB3]  }
0x3d: {  	_ =	shalt  }
0x3e: {  	_ =	shalt  }
0x3f: {  	_ =	shalt  }
0x40: {  	_ =	shalt  }
0x41: {  	_ =	shalt  }
0x42: {  	_ =	shalt  }
0x43: {  	_ =	shalt  }
0x44: {  	_ =	shalt  }
0x45: {  	_ =	shalt  }
0x46: {  	_ =	shalt  }
0x47: {  	_ =	shalt  }
0x48: {  	_ =	shalt  }
0x49: {  	_ =	shalt  }
0x4a: {  	_ =	shalt  }
0x4b: {  	_ =	shalt  }
0x4c: {  	_ =	shalt  }
0x4d: {  	_ =	shalt  }
0x4e: {  	_ =	shalt  }
0x4f: {  	_ =	shalt  }
0x50: {  	_ =	shalt  }
0x51: {  	_ =	shalt  }
0x52: {  	_ =	shalt  }
0x53: {  	_ =	shalt  }
0x54: {  	_ =	shalt  }
0x55: {  	_ =	shalt  }
0x56: {  	_ =	shalt  }
0x57: {  	_ =	shalt  }
0x58: {  	_ =	shalt  }
0x59: {  	_ =	shalt  }
0x5a: {  	_ =	shalt  }
0x5b: {  	_ =	shalt  }
0x5c: {  	_ =	shalt  }
0x5d: {  	_ =	shalt  }
0x5e: {  	_ =	shalt  }
0x5f: {  	_ =	shalt  }
0x60: {  	_ =	shalt  }
0x61: {  	_ =	shalt  }
0x62: {  	_ =	shalt  }
0x63: {  	_ =	shalt  }
0x64: {  	_ =	shalt  }
0x65: {  	_ =	shalt  }
0x66: {  	_ =	shalt  }
0x67: {  	_ =	shalt  }
0x68: {  	_ =	shalt  }
0x69: {  	_ =	shalt  }
0x6a: {  	_ =	shalt  }
0x6b: {  	_ =	shalt  }
0x6c: {  	_ =	shalt  }
0x6d: {  	_ =	shalt  }
0x6e: {  	_ =	shalt  }
0x6f: {  	_ =	shalt  }
0x70: {  	_ =	shalt  }
0x71: {  	_ =	shalt  }
0x72: {  	_ =	shalt  }
0x73: {  	_ =	shalt  }
0x74: {  	_ =	shalt  }
0x75: {  	_ =	shalt  }
0x76: {  	_ =	shalt  }
0x77: {  	_ =	shalt  }
0x78: {  	_ =	shalt  }
0x79: {  	_ =	shalt  }
0x7a: {  	_ =	shalt  }
0x7b: {  	_ =	shalt  }
0x7c: {  	_ =	shalt  }
0x7d: {  	_ =	shalt  }
0x7e: {  	_ =	shalt  }
0x7f: {  	_ =	shalt  }
0x80: {  	_ =	shalt  }
0x81: {  	_ =	shalt  }
0x82: {  	_ =	shalt  }
0x83: {  	_ =	shalt  }
0x84: {  	_ =	shalt  }
0x85: {  	_ =	shalt  }
0x86: {  	_ =	shalt  }
0x87: {  	_ =	shalt  }
.Lfunc_end0:
.L_simem_size_0:
called_computation.1_lowered:
.L_overlay_start_0:
0x88: {  	s2 =	sld [smem:$0x3FD9]  }
0x89: {  	s3 =	sld [smem:$0x3FFE];
	_ =	sdelay $0x1  }
0x8a: {  	s1 =	srdreg.scid  }
0x8b: {  	s0 =	sand.u32 $0x1, s1  }
0x8c: {  	s17 =	sshll.u32 s0, $0xA;
	s2 =	sadd.s32 s3, s2  }
0x8d: {  	s2 =	sadd.s32 s2, s17  }
0x8e: {  	[smem:$0x3FBF] =	sst s2  }
0x8f: {  	_ = 	snop  }
0x90: {  	s2 =	sld [smem:$0x3FD0];
	(tm) =	ssettm $0x1  }
0x91: {  	s18 =	sld [smem:$0x3FFB];
	_ =	sdelay $0x3  }
0x92: {  	_ =	strace s18  }
0x93: {  	s3 =	sld [smem:$0x3FFC];
	_ =	sdelay $0x3  }
0x94: {  	_ =	strace s3  }
0x95: {  	s3 =	sld [smem:$0x3FFD];
	_ =	sdelay $0x3  }
0x96: {  	_ =	strace s3  }
0x97: {  	_ =	strace $0x8FFFFFFF  }
0x98: {  	s19 =	sld [smem:$0x3FDB];
	_ =	sdelay $0x1  }
0x99: {  	s4 =	simm.s32 $_scs_section_size  }
0x9a: {  	s5 =	simm.s32 $_size__tile_overlayer_lowered;
	s6 =	simm.s32 $_tile_overlayer_lowered  }
0x9b: {  	s22 =	simm.s32 $0x1BFF;
	s21 =	sshll.u32 s6, $0x1;
	s3 =	sadd.s32 s4, s19  }
0x9c: {  	s7 =	simm.s32 $0x0;
	s20 =	sshll.u32 s5, $0x1;
	s5 =	sadd.s32 s21, s3  }
0x9d: {  	[timem:s7], [sflag:s22] =	dma.local [hbm:s5], s20  }
0x9e: {  	_ =	swait.ge [sflag:s22], s20  }
0x9f: {  	s4 =	ssub.s32 $0x0, s20;
	[sflag:s22] =	ssyncset.done $0x0  }
0xa0: {  	[sflag:s22] =	ssyncadd.s32 s4;
	_ =	sdelay $0x1  }
0xa1: {  	s23 =	simm.s32 $0x1B8B  }
0xa2: {  	_ =	swait.ge [sflag:s23], $0x1  }
0xa3: {  	[sflag:s23] =	ssyncset.done $0x0  }
0xa4: {  	s25 =	simm.s32 $0x1B8E;
	s24 =	sld [smem:$0x3FFE];
	[sflag:s23] =	ssyncadd.s32 $0xFFFFFFFF  }
0xa5: {  	s26 =	simm.s32 $execute0_lowered;
	[smem:$0x3FD2] =	sst s25  }
0xa6: {  	s5 =	sshll.u32 s26, $0x1;
	_ =	strace $0x80000049;
	[dreg:$0x1] =	wrdreg $0xFFFFFFFF  }
0xa7: {  	s28 =	simm.s32 $_size_execute0_lowered;
	s3 =	sadd.s32 s3, s5;
	[dreg:$0x0] =	wrdreg $0x0  }
0xa8: {  	s5 =	sshll.u32 s28, $0x1;
	[dreg:$0x2] =	wrdreg s3  }
0xa9: {  	[dreg:$0x3] =	wrdreg s5  }
0xaa: {  	[dreg:$0x4] =	wrdreg $0xC0  }
0xab: {  	_ =	task [dreg:s7], $0x5FFFF  }
0xac: {  	[dreg:$0x1] =	wrdreg $0xFFFFFFFF  }
0xad: {  	[dreg:$0x0] =	wrdreg $0x60  }
0xae: {  	[dreg:$0x2] =	wrdreg s24  }
0xaf: {  	[dreg:$0x3] =	wrdreg s2  }
0xb0: {  	[dreg:$0x4] =	wrdreg $0x130000  }
0xb1: {  	[dreg:$0x5] =	wrdreg $0x0  }
0xb2: {  	[dreg:$0x6] =	wrdreg $0x9  }
0xb3: {  	_ =	task.clear_ibuf [dreg:s7], $0x7FFFF;
	_ =	strace $0x90000049  }
0xb4: {  	s29 =	simm.s32 $0x9;
	_ =	strace $0x8000004B  }
0xb5: {  	_ =	swait.ge [sflag:s29], $0x1  }
0xb6: {  	[sflag:s29] =	ssyncadd.s32 $0xFFFFFFFF  }
0xb7: {  	_ =	strace $0x9000004B  }
0xb8: {  	_ =	sfence  }
0xb9: {  	s30 =	sld [smem:$0x0];
	_ =	sdelay $0x2  }
0xba: {  	s31 =	sshll.u32 s1, $0xD;
	s1 =	sshrl.u32 s1, $0x2  }
0xbb: {  	s3 =	sand.u32 $0x4000, s31;
	s1 =	sadd.s32 s1, s30  }
0xbc: {  	s0 =	sor.u32 s3, s0;
	s1 =	sshll.u32 s1, $0x11  }
0xbd: {  	s0 =	sor.u32 s1, s0  }
0xbe: {  	s0 =	sadd.s32 $0x8F2B, s0  }
0xbf: {  	[sflag:s0] =	ssyncadd.remote.s32 $0x1  }
0xc0: {  	_ =	sfence.sel $0xFFFF  }
0xc1: {  	[dreg:$0x0] =	wrdreg $0xFFFFFFFF;
	(pc) =	sbr.abs _section_cstart, $3  }
0xc2: {  	[dreg:$0x1] =	wrdreg $0xFFFFFFFF  }
0xc3: {  	_ =	task.clear_ibuf [dreg:s7], $0x2FFFF;
	_ =	strace $0x9FFFFFFF  }
0xc4: {  	(tm) =	ssettm $0x7FFFFFFF  }
0xc5: {  	_ =	shalt  }
tec
execute0_lowered:
.L_overlay_start_1:
0x0: {  	(tag) =	ssettag $0x1  }
0x1: {  	s5 =	rddreg [dreg:$0x0]  }
0x2: {  	s7 =	rddreg [dreg:$0x1]  }
0x3: {  	s2 =	rddreg [dreg:$0x2]  }
0x4: {  	s3 =	rddreg [dreg:$0x3]  }
0x5: {  	s0 =	rddreg [dreg:$0x4]  }
0x6: {  	s6 =	srdreg.scid;
	s1 =	stileid.u32  }
0x7: {  	s4 =	simm.s32 $0x0;
	s18 =	simm.s32 $0xA000;
	s19 =	simm.s32 $0x80  }
0x8: {  	s20 =	simm.s32 $0xC800;
	s21 =	simm.s32 $0x1;
	s22 =	simm.s32 $0xE800  }
0x9: {  	s23 =	simm.s32 $0x2;
	s24 =	simm.s32 $0x12F80;
	s25 =	simm.s32 $0xC700  }
0xa: {  	s28 =	simm.s32 $0x0;
	s6 =	sand.u32 $0x1, s6;
	s8 =	smul.u32 $0xA000, s1  }
0xb: {  	[smem:$0x7FF] =	sst s4;
	s10 =	sadd.s32 $0x2C00, s5;
	s29 =	smul.u32 $0x5000, s1  }
0xc: {  	s11 =	sadd.s32 $0xCC00, s5;
	s26 =	sshll.u32 s1, $0x6;
	s16 =	smul.u32 $0xA00, s1  }
0xd: {  	s9 =	smul.u32 $0xA0000, s6;
	_ =	strace $0x8000004A;
	s6 =	ssub.s32 $0x2, s6  }
0xe: {  	s12 =	sshrl.u32 s6, $0x1;
	s15 =	sadd.s32 s8, s2;
	s30 =	sshrl.u32 s8, $0x3  }
0xf: {  	s17 =	sadd.s32 s8, s3;
	s31 =	sshrl.u32 s29, $0x3;
	s9 =	sadd.s32 s8, s9  }
0x10: {  	s14 =	ssub.s32 s6, s12;
	s6 =	sor.u32 $0x1C03, s26;
	s7 =	sadd.s32 s7, s30  }
0x11: {  	s8 =	sadd.s32 s10, s16;
	s12 =	sadd.s32 $0x500, s31;
	s9 =	sshrl.u32 s9, $0x3  }
0x12: {  	s26 =	simm.s32 $0xC780;
	s10 =	sadd.s32 s10, s12;
	s13 =	sadd.s32 s9, s5  }
0x13: {  	s9 =	sadd.s32 s11, s16;
	s11 =	sadd.s32 s11, s12;
	s16 =	sshrl.u32 s17, $0x3  }
0x14: {  	s17 =	simm.s32 $0x10800;
	s5 =	sadd.s32 $0x8EC00, s13;
	s12 =	sadd.s32 $0xB6C00, s13  }
0x15: {  	s13 =	smax.u32 s14, $0x1;
	s14 =	sshrl.u32 s15, $0x3;
	s15 =	simm.s32 $0x3  }
.LBB2_1:
0x16: {  	[spmem:s14], [sflag:s6] =	dma.local [hbm:s5], $0x1400  }
0x17: {  	_ =	swait.ge [sflag:s15], $0x1400  }
0x18: {  	[sflag:s15] =	ssyncset.done $0x0  }
0x19: {  	[sflag:s15] =	ssyncadd.s32 $0xFFFFEC00  }
0x1a: {  	[spmem:s16], [sflag:s6] =	dma.local [hbm:s7], $0x1400  }
0x1b: {  	_ =	swait.ge [sflag:s15], $0x1400  }
0x1c: {  	[sflag:s15] =	ssyncset.done $0x0  }
0x1d: {  	[sflag:s15] =	ssyncadd.s32 $0xFFFFEC00  }
0x1e: {  	[bflag:$0x0] =	sbarrier.arrive $0xFFFF  }
0x1f: {  	[tilespmem:s17], [sflag:$0x3] =	stream.linear.gather [hbm4b:s8+s4], $0x2800, $0x38;
	[tilespmem:$0x1D000] =	vst v63  }
0x20: {  	_ =	swait.ge [sflag:s15], $0x2800  }
0x21: {  	[sflag:s15] =	ssyncset.done $0x0  }
0x22: {  	[sflag:s15] =	ssyncadd.s32 $0xFFFFD800  }
0x23: {  	[tilespmem:s18], [sflag:$0x3] =	stream.linear.gather [hbm4b:s9+s4], $0x2800, $0x38;
	[tilespmem:$0x1D000] =	vst v63  }
0x24: {  	_ =	swait.ge [sflag:s15], $0x2800  }
0x25: {  	[sflag:s15] =	ssyncset.done $0x0  }
0x26: {  	[sflag:s15] =	ssyncadd.s32 $0xFFFFD800  }
0x27: {  	[tilespmem:s20], [sflag:$0x1] =	stream.indirect.gather [spmem:s2], $0x40, s17, s19, $0xb8;
	[tilespmem:$0x1D000] =	vst v63  }
0x28: {  	_ =	swait.ge [sflag:s21], $0x2000  }
0x29: {  	[sflag:s21] =	ssyncset.done $0x0  }
0x2a: {  	s29 =	simm.s32 $0x10880;
	[sflag:s21] =	ssyncadd.s32 $0xFFFFE000  }
0x2b: {  	[tilespmem:s22], [sflag:$0x2] =	stream.indirect.gather [spmem:s2], $0x40, s29, s19, $0xb8;
	[tilespmem:$0x1D000] =	vst v63  }
0x2c: {  	s29 =	simm.s32 $0xA000  }
0x2d: {  	[spmem:s3] =	stream.indirect.scatter.add.f32 [tilespmem:s20], [sflag:$0x3], $0x40, s29, s19, $0xb8;
	[tilespmem:$0x1D000] =	vst v63  }
0x2e: {  	_ =	swait.ge [sflag:s15], $0x2000  }
0x2f: {  	[sflag:s15] =	ssyncset.done $0x0  }
0x30: {  	[sflag:s15] =	ssyncadd.s32 $0xFFFFE000  }
0x31: {  	_ =	swait.ge [sflag:s23], $0x2000  }
0x32: {  	[sflag:s23] =	ssyncset.done $0x0  }
0x33: {  	s29 =	simm.s32 $0x10900;
	[sflag:s23] =	ssyncadd.s32 $0xFFFFE000  }
0x34: {  	[tilespmem:s20], [sflag:$0x1] =	stream.indirect.gather [spmem:s2], $0x40, s29, s19, $0xb8;
	[tilespmem:$0x1D000] =	vst v63  }
0x35: {  	s29 =	simm.s32 $0xA080  }
0x36: {  	[spmem:s3] =	stream.indirect.scatter.add.f32 [tilespmem:s22], [sflag:$0x3], $0x40, s29, s19, $0xb8;
	[tilespmem:$0x1D000] =	vst v63  }
0x37: {  	_ =	swait.ge [sflag:s15], $0x2000  }
0x38: {  	s29 =	simm.s32 $0x400;
	[sflag:s15] =	ssyncset.done $0x0  }
.LBB2_2:
0x39: {  	p0 =	sne.s32 s29, $0x9800  }
0x3a: {  	[sflag:s15] =	ssyncadd.s32 $0xFFFFE000;
	s30 =	smov.u32 s29;
	s29 =	sadd.s32 $0x400, s29  }
0x3b: {  	_ = 	snop  }
0x3c: {  	_ =	swait.ge [sflag:s21], $0x2000  }
0x3d: {  	s30 =	sshra.s32 s30, $0x2;
	[sflag:s21] =	ssyncset.done $0x0  }
0x3e: {  	s31 =	sadd.s32 $0x10880, s30;
	[sflag:s21] =	ssyncadd.s32 $0xFFFFE000  }
0x3f: {  	[tilespmem:s22], [sflag:$0x2] =	stream.indirect.gather [spmem:s2], $0x40, s31, s19, $0xb8;
	[tilespmem:$0x1D000] =	vst v63  }
0x40: {  	s31 =	sadd.s32 $0xA000, s30  }
0x41: {  	[spmem:s3] =	stream.indirect.scatter.add.f32 [tilespmem:s20], [sflag:$0x3], $0x40, s31, s19, $0xb8;
	[tilespmem:$0x1D000] =	vst v63  }
0x42: {  	_ =	swait.ge [sflag:s15], $0x2000  }
0x43: {  	[sflag:s15] =	ssyncset.done $0x0  }
0x44: {  	[sflag:s15] =	ssyncadd.s32 $0xFFFFE000  }
0x45: {  	_ =	swait.ge [sflag:s23], $0x2000  }
0x46: {  	[sflag:s23] =	ssyncset.done $0x0  }
0x47: {  	s31 =	sadd.s32 $0x10900, s30;
	[sflag:s23] =	ssyncadd.s32 $0xFFFFE000  }
0x48: {  	[tilespmem:s20], [sflag:$0x1] =	stream.indirect.gather [spmem:s2], $0x40, s31, s19, $0xb8;
	[tilespmem:$0x1D000] =	vst v63  }
.Ltmp0:
0x49: {  	_ = 	snop;
	(pc) =	sbr.rel @p0 .LBB2_2-.Ltmp0, $4  }
0x4a: {  	s30 =	sadd.s32 $0xA080, s30  }
0x4b: {  	[spmem:s3] =	stream.indirect.scatter.add.f32 [tilespmem:s22], [sflag:$0x3], $0x40, s30, s19, $0xb8;
	[tilespmem:$0x1D000] =	vst v63  }
0x4c: {  	_ =	swait.ge [sflag:s15], $0x2000  }
0x4d: {  	[sflag:s15] =	ssyncset.done $0x0  }
0x4e: {  	[sflag:s15] =	ssyncadd.s32 $0xFFFFE000  }
0x4f: {  	_ =	swait.ge [sflag:s21], $0x2000  }
0x50: {  	[sflag:s21] =	ssyncset.done $0x0  }
0x51: {  	[sflag:s21] =	ssyncadd.s32 $0xFFFFE000  }
0x52: {  	[tilespmem:s22], [sflag:$0x2] =	stream.indirect.gather [spmem:s2], $0x40, s24, s19, $0xb8;
	[tilespmem:$0x1D000] =	vst v63  }
0x53: {  	_ = 	snop  }
0x54: {  	[spmem:s3] =	stream.indirect.scatter.add.f32 [tilespmem:s20], [sflag:$0x3], $0x40, s25, s19, $0xb8;
	[tilespmem:$0x1D000] =	vst v63  }
0x55: {  	_ =	swait.ge [sflag:s15], $0x2000  }
0x56: {  	[sflag:s15] =	ssyncset.done $0x0  }
0x57: {  	[sflag:s15] =	ssyncadd.s32 $0xFFFFE000  }
0x58: {  	_ =	swait.ge [sflag:s23], $0x2000  }
0x59: {  	[sflag:s23] =	ssyncset.done $0x0  }
0x5a: {  	[sflag:s23] =	ssyncadd.s32 $0xFFFFE000  }
0x5b: {  	[spmem:s3] =	stream.indirect.scatter.add.f32 [tilespmem:s22], [sflag:$0x3], $0x40, s26, s19, $0xb8;
	[tilespmem:$0x1D000] =	vst v63  }
0x5c: {  	_ =	swait.ge [sflag:s15], $0x2000  }
0x5d: {  	[sflag:s15] =	ssyncset.done $0x0  }
0x5e: {  	s29 =	simm.s32 $0x0;
	[sflag:s15] =	ssyncadd.s32 $0xFFFFE000  }
0x5f: {  	[tilespmem:s17], [sflag:$0x3] =	stream.linear.gather [hbm4b:s10+s29], $0x2800, $0x38;
	[tilespmem:$0x1D000] =	vst v63  }
0x60: {  	_ =	swait.ge [sflag:s15], $0x2800  }
0x61: {  	[sflag:s15] =	ssyncset.done $0x0  }
0x62: {  	[sflag:s15] =	ssyncadd.s32 $0xFFFFD800  }
0x63: {  	[tilespmem:s18], [sflag:$0x3] =	stream.linear.gather [hbm4b:s11+s29], $0x2800, $0x38;
	[tilespmem:$0x1D000] =	vst v63  }
0x64: {  	_ =	swait.ge [sflag:s15], $0x2800  }
0x65: {  	[sflag:s15] =	ssyncset.done $0x0  }
0x66: {  	[sflag:s15] =	ssyncadd.s32 $0xFFFFD800  }
0x67: {  	[tilespmem:s20], [sflag:$0x1] =	stream.indirect.gather [spmem:s2], $0x40, s17, s19, $0xb8;
	[tilespmem:$0x1D000] =	vst v63  }
0x68: {  	_ =	swait.ge [sflag:s21], $0x2000  }
0x69: {  	[sflag:s21] =	ssyncset.done $0x0  }
0x6a: {  	s29 =	simm.s32 $0x10880;
	[sflag:s21] =	ssyncadd.s32 $0xFFFFE000  }
0x6b: {  	[tilespmem:s22], [sflag:$0x2] =	stream.indirect.gather [spmem:s2], $0x40, s29, s19, $0xb8;
	[tilespmem:$0x1D000] =	vst v63  }
0x6c: {  	s29 =	simm.s32 $0xA000  }
0x6d: {  	[spmem:s3] =	stream.indirect.scatter.add.f32 [tilespmem:s20], [sflag:$0x3], $0x40, s29, s19, $0xb8;
	[tilespmem:$0x1D000] =	vst v63  }
0x6e: {  	_ =	swait.ge [sflag:s15], $0x2000  }
0x6f: {  	[sflag:s15] =	ssyncset.done $0x0  }
0x70: {  	[sflag:s15] =	ssyncadd.s32 $0xFFFFE000  }
0x71: {  	_ =	swait.ge [sflag:s23], $0x2000  }
0x72: {  	[sflag:s23] =	ssyncset.done $0x0  }
0x73: {  	s29 =	simm.s32 $0x10900;
	[sflag:s23] =	ssyncadd.s32 $0xFFFFE000  }
0x74: {  	[tilespmem:s20], [sflag:$0x1] =	stream.indirect.gather [spmem:s2], $0x40, s29, s19, $0xb8;
	[tilespmem:$0x1D000] =	vst v63  }
0x75: {  	s29 =	simm.s32 $0xA080  }
0x76: {  	[spmem:s3] =	stream.indirect.scatter.add.f32 [tilespmem:s22], [sflag:$0x3], $0x40, s29, s19, $0xb8;
	[tilespmem:$0x1D000] =	vst v63  }
0x77: {  	_ =	swait.ge [sflag:s15], $0x2000  }
0x78: {  	s29 =	simm.s32 $0x400;
	[sflag:s15] =	ssyncset.done $0x0  }
.LBB2_4:
0x79: {  	p0 =	sne.s32 s29, $0x9800  }
0x7a: {  	[sflag:s15] =	ssyncadd.s32 $0xFFFFE000;
	s30 =	smov.u32 s29;
	s29 =	sadd.s32 $0x400, s29  }
0x7b: {  	_ = 	snop  }
0x7c: {  	_ =	swait.ge [sflag:s21], $0x2000  }
0x7d: {  	s30 =	sshra.s32 s30, $0x2;
	[sflag:s21] =	ssyncset.done $0x0  }
0x7e: {  	s31 =	sadd.s32 $0x10880, s30;
	[sflag:s21] =	ssyncadd.s32 $0xFFFFE000  }
0x7f: {  	[tilespmem:s22], [sflag:$0x2] =	stream.indirect.gather [spmem:s2], $0x40, s31, s19, $0xb8;
	[tilespmem:$0x1D000] =	vst v63  }
0x80: {  	s31 =	sadd.s32 $0xA000, s30  }
0x81: {  	[spmem:s3] =	stream.indirect.scatter.add.f32 [tilespmem:s20], [sflag:$0x3], $0x40, s31, s19, $0xb8;
	[tilespmem:$0x1D000] =	vst v63  }
0x82: {  	_ =	swait.ge [sflag:s15], $0x2000  }
0x83: {  	[sflag:s15] =	ssyncset.done $0x0  }
0x84: {  	[sflag:s15] =	ssyncadd.s32 $0xFFFFE000  }
0x85: {  	_ =	swait.ge [sflag:s23], $0x2000  }
0x86: {  	[sflag:s23] =	ssyncset.done $0x0  }
0x87: {  	s31 =	sadd.s32 $0x10900, s30;
	[sflag:s23] =	ssyncadd.s32 $0xFFFFE000  }
0x88: {  	[tilespmem:s20], [sflag:$0x1] =	stream.indirect.gather [spmem:s2], $0x40, s31, s19, $0xb8;
	[tilespmem:$0x1D000] =	vst v63  }
.Ltmp1:
0x89: {  	_ = 	snop;
	(pc) =	sbr.rel @p0 .LBB2_4-.Ltmp1, $4  }
0x8a: {  	s30 =	sadd.s32 $0xA080, s30  }
0x8b: {  	[spmem:s3] =	stream.indirect.scatter.add.f32 [tilespmem:s22], [sflag:$0x3], $0x40, s30, s19, $0xb8;
	[tilespmem:$0x1D000] =	vst v63  }
0x8c: {  	_ =	swait.ge [sflag:s15], $0x2000  }
0x8d: {  	[sflag:s15] =	ssyncset.done $0x0  }
0x8e: {  	[sflag:s15] =	ssyncadd.s32 $0xFFFFE000  }
0x8f: {  	_ =	swait.ge [sflag:s21], $0x2000  }
0x90: {  	[sflag:s21] =	ssyncset.done $0x0  }
0x91: {  	[sflag:s21] =	ssyncadd.s32 $0xFFFFE000  }
0x92: {  	[tilespmem:s22], [sflag:$0x2] =	stream.indirect.gather [spmem:s2], $0x40, s24, s19, $0xb8;
	[tilespmem:$0x1D000] =	vst v63  }
0x93: {  	_ = 	snop  }
0x94: {  	[spmem:s3] =	stream.indirect.scatter.add.f32 [tilespmem:s20], [sflag:$0x3], $0x40, s25, s19, $0xb8;
	[tilespmem:$0x1D000] =	vst v63  }
0x95: {  	_ =	swait.ge [sflag:s15], $0x2000  }
0x96: {  	[sflag:s15] =	ssyncset.done $0x0  }
0x97: {  	[sflag:s15] =	ssyncadd.s32 $0xFFFFE000  }
0x98: {  	_ =	swait.ge [sflag:s23], $0x2000  }
0x99: {  	[sflag:s23] =	ssyncset.done $0x0  }
0x9a: {  	[sflag:s23] =	ssyncadd.s32 $0xFFFFE000  }
0x9b: {  	[spmem:s3] =	stream.indirect.scatter.add.f32 [tilespmem:s22], [sflag:$0x3], $0x40, s26, s19, $0xb8;
	[tilespmem:$0x1D000] =	vst v63  }
0x9c: {  	_ =	swait.ge [sflag:s15], $0x2000  }
0x9d: {  	s28 =	sadd.s32 $0x1, s28;
	[sflag:s15] =	ssyncset.done $0x0  }
0x9e: {  	p0 =	sne.s32 s28, s13;
	[sflag:s15] =	ssyncadd.s32 $0xFFFFE000  }
.Ltmp2:
0x9f: {  	[bflag:$0x0] =	sbarrier.arrive $0xFFFF;
	(pc) =	sbr.rel @p0 .LBB2_1-.Ltmp2, $4  }
0xa0: {  	[hbm:s12], [sflag:s6] =	dma.local [spmem:s16], $0x1400  }
0xa1: {  	_ =	swait.ge [sflag:s15], $0x1400  }
0xa2: {  	[sflag:s15] =	ssyncset.done $0x0  }
0xa3: {  	[sflag:s15] =	ssyncadd.s32 $0xFFFFEC00  }
0xa4: {  	_ =	sfence.sel $0x180000  }
0xa5: {  	[bflag:$0x0] =	sbarrier.arrive $0xFFFF  }
0xa6: {  	p0 =	sne.s32 s1, $0x0;
	_ =	strace $0x9000004A  }
0xa7: {  	s0 =	sadd.s32 @!p0 $0x100000, s0;
	[bflag:$0x2] =	sbarrier.arrive $0xFFFF  }
0xa8: {  	[sflag:s0] =	ssyncadd.tile.s32 @!p0 $0x1;
	_ =	shalt  }
.Lfunc_end2:
_tile_overlayer_lowered:
.L_overlay_start_2:
0xa9: {  	(tag) =	ssettag $0x2  }
0xaa: {  	s0 =	rddreg [dreg:$0x0];
	s2 =	stileid.u32  }
0xab: {  	s1 =	rddreg [dreg:$0x1];
	p0 =	sne.s32 s2, $0x0  }
0xac: {  	s3 =	rddreg [dreg:$0x2];
	[bflag:$0x3] =	sbarrier.arrive $0xFFFF;
	s2 =	simm.s32 @!p0 $0x1C03  }
0xad: {  	[timem:s3], [sflag:s2] =	dma.local @!p0 [hbm:s0], s1  }
0xae: {  	s0 =	simm.s32 @!p0 $0x3  }
0xaf: {  	_ =	swait.ge @!p0 [sflag:s0], s1  }
0xb0: {  	s1 =	ssub.s32 @!p0 $0x0, s1;
	[sflag:s0] =	ssyncset.done @!p0 $0x0  }
0xb1: {  	[sflag:s0] =	ssyncadd.s32 @!p0 s1  }
0xb2: {  	[bflag:$0x3] =	sbarrier.arrive $0xFFFF  }
0xb3: {  	_ =	shalt  }

// kernel: kernel.14.cloned.1.call-start
scs
__scs_entry_jumppad:
0x0: {  	(pc) =	sbr.rel $0x88, $3  }
0x1: {  	(tag) =	ssettag $0x0;
	lr =	simm.s32 $0x1  }
0x2: {  	[smem:$0x3F98] =	sst lr;
	_ =	strace $0xD0000000  }
0x3: {  	_ = 	snop  }
0x4: {  	_ = 	snop  }
0x5: {  	_ = 	snop  }
0x6: {  	_ = 	snop  }
0x7: {  	_ = 	snop  }
__scs_overlays_trampoline_lowered:
0x8: {  	[smem:$0x3FA7] =	sst s0  }
0x9: {  	[smem:$0x3FA8] =	sst s1  }
0xa: {  	[smem:$0x3FA9] =	sst s2  }
0xb: {  	[smem:$0x3FAA] =	sst s3  }
0xc: {  	[smem:$0x3FAB] =	sst s4  }
0xd: {  	[smem:$0x3FAC] =	sst s5  }
0xe: {  	[smem:$0x3FAD] =	sst s6  }
0xf: {  	[smem:$0x3FAE] =	sst s7  }
0x10: {  	[smem:$0x3FAF] =	sst s8  }
0x11: {  	[smem:$0x3FB0] =	sst s9;
	s0 =	simm.s32 @!p0 $0x0  }
0x12: {  	s1 =	sld [smem:$0x3F96];
	s0 =	simm.s32 @p0 $0x1  }
0x13: {  	[smem:$0x3FB1] =	sst s0;
	s0 =	simm.s32 @!p1 $0x0  }
0x14: {  	s2 =	sld [smem:$0x3F95];
	s0 =	simm.s32 @p1 $0x1  }
0x15: {  	[smem:$0x3FB2] =	sst s0;
	s0 =	simm.s32 @!p2 $0x0  }
0x16: {  	s3 =	sld [smem:$0x3FDB];
	s0 =	simm.s32 @p2 $0x1  }
0x17: {  	s4 =	simm.s32 $0x1BF5;
	[smem:$0x3FB4] =	sst s0  }
0x18: {  	s0 =	sld [smem:$0x3F97];
	_ =	swait.ge [sflag:s4], $0x0  }
0x19: {  	s7 =	sld [smem:$0x3F98]  }
0x1a: {  	s8 =	sadd.s32 $0xFFFFE003, lr  }
0x1b: {  	s9 =	sadd.s32 $0xFFFFFEF7, lr;
	s5 =	simm.s32 $0xFFFFFFFF;
	p2 =	slt.u32 s8, $0xFFFFF086  }
0x1c: {  	p1 =	slt.u32 s9, $0xF7A;
	s5 =	simm.s32 @!p2 $0x0  }
0x1d: {  	s5 =	simm.s32 @p1 $0x1;
	p0 =	seq.s32 s7, s2  }
0x1e: {  	s7 =	smul.u32 @!p0 $0xF7A, s2;
	p2 =	seq.s32 @!p0 s5, $0x0  }
0x1f: {  	s9 =	smul.u32 $0xF7A, s1;
	s8 =	simm.s32 @!p0 $0x1BF5;
	p2 =	por !p2, p0  }
0x20: {  	[sflag:s8] =	ssyncset.s32 @!p0 $0xFFFFF086;
	s6 =	sadd.s32 @!p0 s3, s7;
	s7 =	simm.s32 @!p0 $0x108  }
0x21: {  	s3 =	sadd.s32 s3, s9;
	s6 =	sadd.s32 @!p0 $0x88, s6;
	s7 =	simm.s32 @p2 $0x1082  }
0x22: {  	[simem:s7], [sflag:s8] =	dma.local @!p0 [hbm:s6], $0xF7A  }
0x23: {  	s9 =	sor.u32 $0xD0000000, s2;
	s6 =	simm.s32 $0x108;
	_ =	swait.ge @!p0 [sflag:s8], $0x0  }
0x24: {  	s3 =	sadd.s32 $0x88, s3;
	s6 =	simm.s32 @!p1 $0x1082;
	[sflag:s4] =	ssyncset.s32 $0xFFFFF086  }
0x25: {  	[simem:s6], [sflag:s4] =	dma.local [hbm:s3], $0xF7A  }
0x26: {  	[smem:$0x3F98] =	sst s1;
	(tag) =	ssettag s2;
	_ =	strace s9  }
0x27: {  	s1 =	sld [smem:$0x3FA8]  }
0x28: {  	s2 =	sld [smem:$0x3FA9]  }
0x29: {  	s4 =	sld [smem:$0x3FAB]  }
0x2a: {  	p0 =	seq.s32 s5, $0x0;
	s5 =	sld [smem:$0x3FAC]  }
0x2b: {  	s6 =	sld [smem:$0x3FAD]  }
0x2c: {  	s7 =	sld [smem:$0x3FAE]  }
0x2d: {  	s3 =	simm.s32 $0x108;
	s8 =	sld [smem:$0x3FAF]  }
0x2e: {  	s3 =	simm.s32 @!p0 $0x1082;
	s9 =	sld [smem:$0x3FB0]  }
0x2f: {  	lr =	sadd.s32 s0, s3;
	s0 =	sld [smem:$0x3FA7]  }
0x30: {  	s3 =	sld [smem:$0x3FAA]  }
0x31: {  	[smem:$0x3FB3] =	sst s10  }
0x32: {  	s10 =	sld [smem:$0x3FB1];
	_ =	sdelay $0x3  }
0x33: {  	p0 =	seq.s32 s10, $0x1;
	s10 =	sld [smem:$0x3FB3];
	_ =	sdelay $0x3  }
0x34: {  	[smem:$0x3FB3] =	sst s10  }
0x35: {  	s10 =	sld [smem:$0x3FB2];
	_ =	sdelay $0x3  }
0x36: {  	p1 =	seq.s32 s10, $0x1;
	s10 =	sld [smem:$0x3FB3];
	_ =	sdelay $0x3  }
0x37: {  	[smem:$0x3FB3] =	sst s10  }
0x38: {  	s10 =	sld [smem:$0x3FB4]  }
0x39: {  	_ = 	snop;
	(pc) =	sbr.ind lr, $3  }
0x3a: {  	_ = 	snop  }
0x3b: {  	_ = 	snop  }
0x3c: {  	p2 =	seq.s32 s10, $0x1;
	s10 =	sld [smem:$0x3FB3]  }
0x3d: {  	_ =	shalt  }
0x3e: {  	_ =	shalt  }
0x3f: {  	_ =	shalt  }
0x40: {  	_ =	shalt  }
0x41: {  	_ =	shalt  }
0x42: {  	_ =	shalt  }
0x43: {  	_ =	shalt  }
0x44: {  	_ =	shalt  }
0x45: {  	_ =	shalt  }
0x46: {  	_ =	shalt  }
0x47: {  	_ =	shalt  }
0x48: {  	_ =	shalt  }
0x49: {  	_ =	shalt  }
0x4a: {  	_ =	shalt  }
0x4b: {  	_ =	shalt  }
0x4c: {  	_ =	shalt  }
0x4d: {  	_ =	shalt  }
0x4e: {  	_ =	shalt  }
0x4f: {  	_ =	shalt  }
0x50: {  	_ =	shalt  }
0x51: {  	_ =	shalt  }
0x52: {  	_ =	shalt  }
0x53: {  	_ =	shalt  }
0x54: {  	_ =	shalt  }
0x55: {  	_ =	shalt  }
0x56: {  	_ =	shalt  }
0x57: {  	_ =	shalt  }
0x58: {  	_ =	shalt  }
0x59: {  	_ =	shalt  }
0x5a: {  	_ =	shalt  }
0x5b: {  	_ =	shalt  }
0x5c: {  	_ =	shalt  }
0x5d: {  	_ =	shalt  }
0x5e: {  	_ =	shalt  }
0x5f: {  	_ =	shalt  }
0x60: {  	_ =	shalt  }
0x61: {  	_ =	shalt  }
0x62: {  	_ =	shalt  }
0x63: {  	_ =	shalt  }
0x64: {  	_ =	shalt  }
0x65: {  	_ =	shalt  }
0x66: {  	_ =	shalt  }
0x67: {  	_ =	shalt  }
0x68: {  	_ =	shalt  }
0x69: {  	_ =	shalt  }
0x6a: {  	_ =	shalt  }
0x6b: {  	_ =	shalt  }
0x6c: {  	_ =	shalt  }
0x6d: {  	_ =	shalt  }
0x6e: {  	_ =	shalt  }
0x6f: {  	_ =	shalt  }
0x70: {  	_ =	shalt  }
0x71: {  	_ =	shalt  }
0x72: {  	_ =	shalt  }
0x73: {  	_ =	shalt  }
0x74: {  	_ =	shalt  }
0x75: {  	_ =	shalt  }
0x76: {  	_ =	shalt  }
0x77: {  	_ =	shalt  }
0x78: {  	_ =	shalt  }
0x79: {  	_ =	shalt  }
0x7a: {  	_ =	shalt  }
0x7b: {  	_ =	shalt  }
0x7c: {  	_ =	shalt  }
0x7d: {  	_ =	shalt  }
0x7e: {  	_ =	shalt  }
0x7f: {  	_ =	shalt  }
0x80: {  	_ =	shalt  }
0x81: {  	_ =	shalt  }
0x82: {  	_ =	shalt  }
0x83: {  	_ =	shalt  }
0x84: {  	_ =	shalt  }
0x85: {  	_ =	shalt  }
0x86: {  	_ =	shalt  }
0x87: {  	_ =	shalt  }
.Lfunc_end0:
.L_simem_size_0:
called_computation.2_lowered:
.L_overlay_start_0:
0x88: {  	s2 =	sld [smem:$0x3FD9]  }
0x89: {  	s3 =	sld [smem:$0x3FFE];
	_ =	sdelay $0x1  }
0x8a: {  	s1 =	srdreg.scid  }
0x8b: {  	s0 =	sand.u32 $0x1, s1  }
0x8c: {  	s17 =	sshll.u32 s0, $0xA;
	s2 =	sadd.s32 s3, s2  }
0x8d: {  	s2 =	sadd.s32 s2, s17  }
0x8e: {  	[smem:$0x3FBF] =	sst s2  }
0x8f: {  	_ = 	snop  }
0x90: {  	s2 =	sld [smem:$0x3FD0];
	(tm) =	ssettm $0x1  }
0x91: {  	s18 =	sld [smem:$0x3FFB];
	_ =	sdelay $0x3  }
0x92: {  	_ =	strace s18  }
0x93: {  	s3 =	sld [smem:$0x3FFC];
	_ =	sdelay $0x3  }
0x94: {  	_ =	strace s3  }
0x95: {  	s3 =	sld [smem:$0x3FFD];
	_ =	sdelay $0x3  }
0x96: {  	_ =	strace s3  }
0x97: {  	_ =	strace $0x8FFFFFFF  }
0x98: {  	s19 =	sld [smem:$0x3FDB];
	_ =	sdelay $0x1  }
0x99: {  	s4 =	simm.s32 $_scs_section_size  }
0x9a: {  	s5 =	simm.s32 $_size__tile_overlayer_lowered;
	s6 =	simm.s32 $_tile_overlayer_lowered  }
0x9b: {  	s22 =	simm.s32 $0x1BFF;
	s21 =	sshll.u32 s6, $0x1;
	s3 =	sadd.s32 s4, s19  }
0x9c: {  	s7 =	simm.s32 $0x0;
	s20 =	sshll.u32 s5, $0x1;
	s5 =	sadd.s32 s21, s3  }
0x9d: {  	[timem:s7], [sflag:s22] =	dma.local [hbm:s5], s20  }
0x9e: {  	_ =	swait.ge [sflag:s22], s20  }
0x9f: {  	s4 =	ssub.s32 $0x0, s20;
	[sflag:s22] =	ssyncset.done $0x0  }
0xa0: {  	[sflag:s22] =	ssyncadd.s32 s4;
	_ =	sdelay $0x1  }
0xa1: {  	s23 =	simm.s32 $0x1B8B  }
0xa2: {  	_ =	swait.ge [sflag:s23], $0x1  }
0xa3: {  	[sflag:s23] =	ssyncset.done $0x0  }
0xa4: {  	s25 =	simm.s32 $0x1B8E;
	s24 =	sld [smem:$0x3FFE];
	[sflag:s23] =	ssyncadd.s32 $0xFFFFFFFF  }
0xa5: {  	s26 =	simm.s32 $execute0_lowered;
	[smem:$0x3FD2] =	sst s25  }
0xa6: {  	s5 =	sshll.u32 s26, $0x1;
	_ =	strace $0x8000004C;
	[dreg:$0x1] =	wrdreg $0xFFFFFFFF  }
0xa7: {  	s28 =	simm.s32 $_size_execute0_lowered;
	s3 =	sadd.s32 s3, s5;
	[dreg:$0x0] =	wrdreg $0x0  }
0xa8: {  	s5 =	sshll.u32 s28, $0x1;
	[dreg:$0x2] =	wrdreg s3  }
0xa9: {  	[dreg:$0x3] =	wrdreg s5  }
0xaa: {  	[dreg:$0x4] =	wrdreg $0xC0  }
0xab: {  	_ =	task [dreg:s7], $0x5FFFF  }
0xac: {  	[dreg:$0x1] =	wrdreg $0xFFFFFFFF  }
0xad: {  	[dreg:$0x0] =	wrdreg $0x60  }
0xae: {  	[dreg:$0x2] =	wrdreg s24  }
0xaf: {  	[dreg:$0x3] =	wrdreg s2  }
0xb0: {  	[dreg:$0x4] =	wrdreg $0x130000  }
0xb1: {  	[dreg:$0x5] =	wrdreg $0x0  }
0xb2: {  	[dreg:$0x6] =	wrdreg $0x9  }
0xb3: {  	_ =	task.clear_ibuf [dreg:s7], $0x7FFFF;
	_ =	strace $0x9000004C  }
0xb4: {  	s29 =	simm.s32 $0x9;
	_ =	strace $0x8000004E  }
0xb5: {  	_ =	swait.ge [sflag:s29], $0x1  }
0xb6: {  	[sflag:s29] =	ssyncadd.s32 $0xFFFFFFFF  }
0xb7: {  	_ =	strace $0x9000004E  }
0xb8: {  	_ =	sfence  }
0xb9: {  	s30 =	sld [smem:$0x0];
	_ =	sdelay $0x2  }
0xba: {  	s31 =	sshll.u32 s1, $0xD;
	s1 =	sshrl.u32 s1, $0x2  }
0xbb: {  	s3 =	sand.u32 $0x4000, s31;
	s1 =	sadd.s32 s1, s30  }
0xbc: {  	s0 =	sor.u32 s3, s0;
	s1 =	sshll.u32 s1, $0x11  }
0xbd: {  	s0 =	sor.u32 s1, s0  }
0xbe: {  	s0 =	sadd.s32 $0x8F2B, s0  }
0xbf: {  	[sflag:s0] =	ssyncadd.remote.s32 $0x1  }
0xc0: {  	_ =	sfence.sel $0xFFFF  }
0xc1: {  	[dreg:$0x0] =	wrdreg $0xFFFFFFFF;
	(pc) =	sbr.abs _section_cstart, $3  }
0xc2: {  	[dreg:$0x1] =	wrdreg $0xFFFFFFFF  }
0xc3: {  	_ =	task.clear_ibuf [dreg:s7], $0x2FFFF;
	_ =	strace $0x9FFFFFFF  }
0xc4: {  	(tm) =	ssettm $0x7FFFFFFF  }
0xc5: {  	_ =	shalt  }
tec
execute0_lowered:
.L_overlay_start_1:
0x0: {  	(tag) =	ssettag $0x1  }
0x1: {  	s5 =	rddreg [dreg:$0x0]  }
0x2: {  	s7 =	rddreg [dreg:$0x1]  }
0x3: {  	s2 =	rddreg [dreg:$0x2]  }
0x4: {  	s3 =	rddreg [dreg:$0x3]  }
0x5: {  	s0 =	rddreg [dreg:$0x4]  }
0x6: {  	s6 =	srdreg.scid;
	s1 =	stileid.u32  }
0x7: {  	s4 =	simm.s32 $0x0;
	s18 =	simm.s32 $0xA000;
	s19 =	simm.s32 $0x80  }
0x8: {  	s20 =	simm.s32 $0xC800;
	s21 =	simm.s32 $0x1;
	s22 =	simm.s32 $0xE800  }
0x9: {  	s23 =	simm.s32 $0x2;
	s24 =	simm.s32 $0x12F80;
	s25 =	simm.s32 $0xC700  }
0xa: {  	s28 =	simm.s32 $0x0;
	s6 =	sand.u32 $0x1, s6;
	s8 =	smul.u32 $0xA000, s1  }
0xb: {  	[smem:$0x7FF] =	sst s4;
	s10 =	sadd.s32 $0x2C00, s5;
	s29 =	smul.u32 $0x5000, s1  }
0xc: {  	s11 =	sadd.s32 $0xCC00, s5;
	s26 =	sshll.u32 s1, $0x6;
	s16 =	smul.u32 $0xA00, s1  }
0xd: {  	s9 =	smul.u32 $0xA0000, s6;
	_ =	strace $0x8000004D;
	s6 =	ssub.s32 $0x2, s6  }
0xe: {  	s12 =	sshrl.u32 s6, $0x1;
	s15 =	sadd.s32 s8, s2;
	s30 =	sshrl.u32 s8, $0x3  }
0xf: {  	s17 =	sadd.s32 s8, s3;
	s31 =	sshrl.u32 s29, $0x3;
	s9 =	sadd.s32 s8, s9  }
0x10: {  	s14 =	ssub.s32 s6, s12;
	s6 =	sor.u32 $0x1C03, s26;
	s7 =	sadd.s32 s7, s30  }
0x11: {  	s8 =	sadd.s32 s10, s16;
	s12 =	sadd.s32 $0x500, s31;
	s9 =	sshrl.u32 s9, $0x3  }
0x12: {  	s26 =	simm.s32 $0xC780;
	s10 =	sadd.s32 s10, s12;
	s13 =	sadd.s32 s9, s5  }
0x13: {  	s9 =	sadd.s32 s11, s16;
	s11 =	sadd.s32 s11, s12;
	s16 =	sshrl.u32 s17, $0x3  }
0x14: {  	s17 =	simm.s32 $0x10800;
	s5 =	sadd.s32 $0x66C00, s13;
	s12 =	sadd.s32 $0x8EC00, s13  }
0x15: {  	s13 =	smax.u32 s14, $0x1;
	s14 =	sshrl.u32 s15, $0x3;
	s15 =	simm.s32 $0x3  }
.LBB2_1:
0x16: {  	[spmem:s14], [sflag:s6] =	dma.local [hbm:s5], $0x1400  }
0x17: {  	_ =	swait.ge [sflag:s15], $0x1400  }
0x18: {  	[sflag:s15] =	ssyncset.done $0x0  }
0x19: {  	[sflag:s15] =	ssyncadd.s32 $0xFFFFEC00  }
0x1a: {  	[spmem:s16], [sflag:s6] =	dma.local [hbm:s7], $0x1400  }
0x1b: {  	_ =	swait.ge [sflag:s15], $0x1400  }
0x1c: {  	[sflag:s15] =	ssyncset.done $0x0  }
0x1d: {  	[sflag:s15] =	ssyncadd.s32 $0xFFFFEC00  }
0x1e: {  	[bflag:$0x0] =	sbarrier.arrive $0xFFFF  }
0x1f: {  	[tilespmem:s17], [sflag:$0x3] =	stream.linear.gather [hbm4b:s8+s4], $0x2800, $0x38;
	[tilespmem:$0x1D000] =	vst v63  }
0x20: {  	_ =	swait.ge [sflag:s15], $0x2800  }
0x21: {  	[sflag:s15] =	ssyncset.done $0x0  }
0x22: {  	[sflag:s15] =	ssyncadd.s32 $0xFFFFD800  }
0x23: {  	[tilespmem:s18], [sflag:$0x3] =	stream.linear.gather [hbm4b:s9+s4], $0x2800, $0x38;
	[tilespmem:$0x1D000] =	vst v63  }
0x24: {  	_ =	swait.ge [sflag:s15], $0x2800  }
0x25: {  	[sflag:s15] =	ssyncset.done $0x0  }
0x26: {  	[sflag:s15] =	ssyncadd.s32 $0xFFFFD800  }
0x27: {  	[tilespmem:s20], [sflag:$0x1] =	stream.indirect.gather [spmem:s2], $0x40, s17, s19, $0xb8;
	[tilespmem:$0x1D000] =	vst v63  }
0x28: {  	_ =	swait.ge [sflag:s21], $0x2000  }
0x29: {  	[sflag:s21] =	ssyncset.done $0x0  }
0x2a: {  	s29 =	simm.s32 $0x10880;
	[sflag:s21] =	ssyncadd.s32 $0xFFFFE000  }
0x2b: {  	[tilespmem:s22], [sflag:$0x2] =	stream.indirect.gather [spmem:s2], $0x40, s29, s19, $0xb8;
	[tilespmem:$0x1D000] =	vst v63  }
0x2c: {  	s29 =	simm.s32 $0xA000  }
0x2d: {  	[spmem:s3] =	stream.indirect.scatter.add.f32 [tilespmem:s20], [sflag:$0x3], $0x40, s29, s19, $0xb8;
	[tilespmem:$0x1D000] =	vst v63  }
0x2e: {  	_ =	swait.ge [sflag:s15], $0x2000  }
0x2f: {  	[sflag:s15] =	ssyncset.done $0x0  }
0x30: {  	[sflag:s15] =	ssyncadd.s32 $0xFFFFE000  }
0x31: {  	_ =	swait.ge [sflag:s23], $0x2000  }
0x32: {  	[sflag:s23] =	ssyncset.done $0x0  }
0x33: {  	s29 =	simm.s32 $0x10900;
	[sflag:s23] =	ssyncadd.s32 $0xFFFFE000  }
0x34: {  	[tilespmem:s20], [sflag:$0x1] =	stream.indirect.gather [spmem:s2], $0x40, s29, s19, $0xb8;
	[tilespmem:$0x1D000] =	vst v63  }
0x35: {  	s29 =	simm.s32 $0xA080  }
0x36: {  	[spmem:s3] =	stream.indirect.scatter.add.f32 [tilespmem:s22], [sflag:$0x3], $0x40, s29, s19, $0xb8;
	[tilespmem:$0x1D000] =	vst v63  }
0x37: {  	_ =	swait.ge [sflag:s15], $0x2000  }
0x38: {  	s29 =	simm.s32 $0x400;
	[sflag:s15] =	ssyncset.done $0x0  }
.LBB2_2:
0x39: {  	p0 =	sne.s32 s29, $0x9800  }
0x3a: {  	[sflag:s15] =	ssyncadd.s32 $0xFFFFE000;
	s30 =	smov.u32 s29;
	s29 =	sadd.s32 $0x400, s29  }
0x3b: {  	_ = 	snop  }
0x3c: {  	_ =	swait.ge [sflag:s21], $0x2000  }
0x3d: {  	s30 =	sshra.s32 s30, $0x2;
	[sflag:s21] =	ssyncset.done $0x0  }
0x3e: {  	s31 =	sadd.s32 $0x10880, s30;
	[sflag:s21] =	ssyncadd.s32 $0xFFFFE000  }
0x3f: {  	[tilespmem:s22], [sflag:$0x2] =	stream.indirect.gather [spmem:s2], $0x40, s31, s19, $0xb8;
	[tilespmem:$0x1D000] =	vst v63  }
0x40: {  	s31 =	sadd.s32 $0xA000, s30  }
0x41: {  	[spmem:s3] =	stream.indirect.scatter.add.f32 [tilespmem:s20], [sflag:$0x3], $0x40, s31, s19, $0xb8;
	[tilespmem:$0x1D000] =	vst v63  }
0x42: {  	_ =	swait.ge [sflag:s15], $0x2000  }
0x43: {  	[sflag:s15] =	ssyncset.done $0x0  }
0x44: {  	[sflag:s15] =	ssyncadd.s32 $0xFFFFE000  }
0x45: {  	_ =	swait.ge [sflag:s23], $0x2000  }
0x46: {  	[sflag:s23] =	ssyncset.done $0x0  }
0x47: {  	s31 =	sadd.s32 $0x10900, s30;
	[sflag:s23] =	ssyncadd.s32 $0xFFFFE000  }
0x48: {  	[tilespmem:s20], [sflag:$0x1] =	stream.indirect.gather [spmem:s2], $0x40, s31, s19, $0xb8;
	[tilespmem:$0x1D000] =	vst v63  }
.Ltmp0:
0x49: {  	_ = 	snop;
	(pc) =	sbr.rel @p0 .LBB2_2-.Ltmp0, $4  }
0x4a: {  	s30 =	sadd.s32 $0xA080, s30  }
0x4b: {  	[spmem:s3] =	stream.indirect.scatter.add.f32 [tilespmem:s22], [sflag:$0x3], $0x40, s30, s19, $0xb8;
	[tilespmem:$0x1D000] =	vst v63  }
0x4c: {  	_ =	swait.ge [sflag:s15], $0x2000  }
0x4d: {  	[sflag:s15] =	ssyncset.done $0x0  }
0x4e: {  	[sflag:s15] =	ssyncadd.s32 $0xFFFFE000  }
0x4f: {  	_ =	swait.ge [sflag:s21], $0x2000  }
0x50: {  	[sflag:s21] =	ssyncset.done $0x0  }
0x51: {  	[sflag:s21] =	ssyncadd.s32 $0xFFFFE000  }
0x52: {  	[tilespmem:s22], [sflag:$0x2] =	stream.indirect.gather [spmem:s2], $0x40, s24, s19, $0xb8;
	[tilespmem:$0x1D000] =	vst v63  }
0x53: {  	_ = 	snop  }
0x54: {  	[spmem:s3] =	stream.indirect.scatter.add.f32 [tilespmem:s20], [sflag:$0x3], $0x40, s25, s19, $0xb8;
	[tilespmem:$0x1D000] =	vst v63  }
0x55: {  	_ =	swait.ge [sflag:s15], $0x2000  }
0x56: {  	[sflag:s15] =	ssyncset.done $0x0  }
0x57: {  	[sflag:s15] =	ssyncadd.s32 $0xFFFFE000  }
0x58: {  	_ =	swait.ge [sflag:s23], $0x2000  }
0x59: {  	[sflag:s23] =	ssyncset.done $0x0  }
0x5a: {  	[sflag:s23] =	ssyncadd.s32 $0xFFFFE000  }
0x5b: {  	[spmem:s3] =	stream.indirect.scatter.add.f32 [tilespmem:s22], [sflag:$0x3], $0x40, s26, s19, $0xb8;
	[tilespmem:$0x1D000] =	vst v63  }
0x5c: {  	_ =	swait.ge [sflag:s15], $0x2000  }
0x5d: {  	[sflag:s15] =	ssyncset.done $0x0  }
0x5e: {  	s29 =	simm.s32 $0x0;
	[sflag:s15] =	ssyncadd.s32 $0xFFFFE000  }
0x5f: {  	[tilespmem:s17], [sflag:$0x3] =	stream.linear.gather [hbm4b:s10+s29], $0x2800, $0x38;
	[tilespmem:$0x1D000] =	vst v63  }
0x60: {  	_ =	swait.ge [sflag:s15], $0x2800  }
0x61: {  	[sflag:s15] =	ssyncset.done $0x0  }
0x62: {  	[sflag:s15] =	ssyncadd.s32 $0xFFFFD800  }
0x63: {  	[tilespmem:s18], [sflag:$0x3] =	stream.linear.gather [hbm4b:s11+s29], $0x2800, $0x38;
	[tilespmem:$0x1D000] =	vst v63  }
0x64: {  	_ =	swait.ge [sflag:s15], $0x2800  }
0x65: {  	[sflag:s15] =	ssyncset.done $0x0  }
0x66: {  	[sflag:s15] =	ssyncadd.s32 $0xFFFFD800  }
0x67: {  	[tilespmem:s20], [sflag:$0x1] =	stream.indirect.gather [spmem:s2], $0x40, s17, s19, $0xb8;
	[tilespmem:$0x1D000] =	vst v63  }
0x68: {  	_ =	swait.ge [sflag:s21], $0x2000  }
0x69: {  	[sflag:s21] =	ssyncset.done $0x0  }
0x6a: {  	s29 =	simm.s32 $0x10880;
	[sflag:s21] =	ssyncadd.s32 $0xFFFFE000  }
0x6b: {  	[tilespmem:s22], [sflag:$0x2] =	stream.indirect.gather [spmem:s2], $0x40, s29, s19, $0xb8;
	[tilespmem:$0x1D000] =	vst v63  }
0x6c: {  	s29 =	simm.s32 $0xA000  }
0x6d: {  	[spmem:s3] =	stream.indirect.scatter.add.f32 [tilespmem:s20], [sflag:$0x3], $0x40, s29, s19, $0xb8;
	[tilespmem:$0x1D000] =	vst v63  }
0x6e: {  	_ =	swait.ge [sflag:s15], $0x2000  }
0x6f: {  	[sflag:s15] =	ssyncset.done $0x0  }
0x70: {  	[sflag:s15] =	ssyncadd.s32 $0xFFFFE000  }
0x71: {  	_ =	swait.ge [sflag:s23], $0x2000  }
0x72: {  	[sflag:s23] =	ssyncset.done $0x0  }
0x73: {  	s29 =	simm.s32 $0x10900;
	[sflag:s23] =	ssyncadd.s32 $0xFFFFE000  }
0x74: {  	[tilespmem:s20], [sflag:$0x1] =	stream.indirect.gather [spmem:s2], $0x40, s29, s19, $0xb8;
	[tilespmem:$0x1D000] =	vst v63  }
0x75: {  	s29 =	simm.s32 $0xA080  }
0x76: {  	[spmem:s3] =	stream.indirect.scatter.add.f32 [tilespmem:s22], [sflag:$0x3], $0x40, s29, s19, $0xb8;
	[tilespmem:$0x1D000] =	vst v63  }
0x77: {  	_ =	swait.ge [sflag:s15], $0x2000  }
0x78: {  	s29 =	simm.s32 $0x400;
	[sflag:s15] =	ssyncset.done $0x0  }
.LBB2_4:
0x79: {  	p0 =	sne.s32 s29, $0x9800  }
0x7a: {  	[sflag:s15] =	ssyncadd.s32 $0xFFFFE000;
	s30 =	smov.u32 s29;
	s29 =	sadd.s32 $0x400, s29  }
0x7b: {  	_ = 	snop  }
0x7c: {  	_ =	swait.ge [sflag:s21], $0x2000  }
0x7d: {  	s30 =	sshra.s32 s30, $0x2;
	[sflag:s21] =	ssyncset.done $0x0  }
0x7e: {  	s31 =	sadd.s32 $0x10880, s30;
	[sflag:s21] =	ssyncadd.s32 $0xFFFFE000  }
0x7f: {  	[tilespmem:s22], [sflag:$0x2] =	stream.indirect.gather [spmem:s2], $0x40, s31, s19, $0xb8;
	[tilespmem:$0x1D000] =	vst v63  }
0x80: {  	s31 =	sadd.s32 $0xA000, s30  }
0x81: {  	[spmem:s3] =	stream.indirect.scatter.add.f32 [tilespmem:s20], [sflag:$0x3], $0x40, s31, s19, $0xb8;
	[tilespmem:$0x1D000] =	vst v63  }
0x82: {  	_ =	swait.ge [sflag:s15], $0x2000  }
0x83: {  	[sflag:s15] =	ssyncset.done $0x0  }
0x84: {  	[sflag:s15] =	ssyncadd.s32 $0xFFFFE000  }
0x85: {  	_ =	swait.ge [sflag:s23], $0x2000  }
0x86: {  	[sflag:s23] =	ssyncset.done $0x0  }
0x87: {  	s31 =	sadd.s32 $0x10900, s30;
	[sflag:s23] =	ssyncadd.s32 $0xFFFFE000  }
0x88: {  	[tilespmem:s20], [sflag:$0x1] =	stream.indirect.gather [spmem:s2], $0x40, s31, s19, $0xb8;
	[tilespmem:$0x1D000] =	vst v63  }
.Ltmp1:
0x89: {  	_ = 	snop;
	(pc) =	sbr.rel @p0 .LBB2_4-.Ltmp1, $4  }
0x8a: {  	s30 =	sadd.s32 $0xA080, s30  }
0x8b: {  	[spmem:s3] =	stream.indirect.scatter.add.f32 [tilespmem:s22], [sflag:$0x3], $0x40, s30, s19, $0xb8;
	[tilespmem:$0x1D000] =	vst v63  }
0x8c: {  	_ =	swait.ge [sflag:s15], $0x2000  }
0x8d: {  	[sflag:s15] =	ssyncset.done $0x0  }
0x8e: {  	[sflag:s15] =	ssyncadd.s32 $0xFFFFE000  }
0x8f: {  	_ =	swait.ge [sflag:s21], $0x2000  }
0x90: {  	[sflag:s21] =	ssyncset.done $0x0  }
0x91: {  	[sflag:s21] =	ssyncadd.s32 $0xFFFFE000  }
0x92: {  	[tilespmem:s22], [sflag:$0x2] =	stream.indirect.gather [spmem:s2], $0x40, s24, s19, $0xb8;
	[tilespmem:$0x1D000] =	vst v63  }
0x93: {  	_ = 	snop  }
0x94: {  	[spmem:s3] =	stream.indirect.scatter.add.f32 [tilespmem:s20], [sflag:$0x3], $0x40, s25, s19, $0xb8;
	[tilespmem:$0x1D000] =	vst v63  }
0x95: {  	_ =	swait.ge [sflag:s15], $0x2000  }
0x96: {  	[sflag:s15] =	ssyncset.done $0x0  }
0x97: {  	[sflag:s15] =	ssyncadd.s32 $0xFFFFE000  }
0x98: {  	_ =	swait.ge [sflag:s23], $0x2000  }
0x99: {  	[sflag:s23] =	ssyncset.done $0x0  }
0x9a: {  	[sflag:s23] =	ssyncadd.s32 $0xFFFFE000  }
0x9b: {  	[spmem:s3] =	stream.indirect.scatter.add.f32 [tilespmem:s22], [sflag:$0x3], $0x40, s26, s19, $0xb8;
	[tilespmem:$0x1D000] =	vst v63  }
0x9c: {  	_ =	swait.ge [sflag:s15], $0x2000  }
0x9d: {  	s28 =	sadd.s32 $0x1, s28;
	[sflag:s15] =	ssyncset.done $0x0  }
0x9e: {  	p0 =	sne.s32 s28, s13;
	[sflag:s15] =	ssyncadd.s32 $0xFFFFE000  }
.Ltmp2:
0x9f: {  	[bflag:$0x0] =	sbarrier.arrive $0xFFFF;
	(pc) =	sbr.rel @p0 .LBB2_1-.Ltmp2, $4  }
0xa0: {  	[hbm:s12], [sflag:s6] =	dma.local [spmem:s16], $0x1400  }
0xa1: {  	_ =	swait.ge [sflag:s15], $0x1400  }
0xa2: {  	[sflag:s15] =	ssyncset.done $0x0  }
0xa3: {  	[sflag:s15] =	ssyncadd.s32 $0xFFFFEC00  }
0xa4: {  	_ =	sfence.sel $0x180000  }
0xa5: {  	[bflag:$0x0] =	sbarrier.arrive $0xFFFF  }
0xa6: {  	p0 =	sne.s32 s1, $0x0;
	_ =	strace $0x9000004D  }
0xa7: {  	s0 =	sadd.s32 @!p0 $0x100000, s0;
	[bflag:$0x2] =	sbarrier.arrive $0xFFFF  }
0xa8: {  	[sflag:s0] =	ssyncadd.tile.s32 @!p0 $0x1;
	_ =	shalt  }
.Lfunc_end2:
_tile_overlayer_lowered:
.L_overlay_start_2:
0xa9: {  	(tag) =	ssettag $0x2  }
0xaa: {  	s0 =	rddreg [dreg:$0x0];
	s2 =	stileid.u32  }
0xab: {  	s1 =	rddreg [dreg:$0x1];
	p0 =	sne.s32 s2, $0x0  }
0xac: {  	s3 =	rddreg [dreg:$0x2];
	[bflag:$0x3] =	sbarrier.arrive $0xFFFF;
	s2 =	simm.s32 @!p0 $0x1C03  }
0xad: {  	[timem:s3], [sflag:s2] =	dma.local @!p0 [hbm:s0], s1  }
0xae: {  	s0 =	simm.s32 @!p0 $0x3  }
0xaf: {  	_ =	swait.ge @!p0 [sflag:s0], s1  }
0xb0: {  	s1 =	ssub.s32 @!p0 $0x0, s1;
	[sflag:s0] =	ssyncset.done @!p0 $0x0  }
0xb1: {  	[sflag:s0] =	ssyncadd.s32 @!p0 s1  }
0xb2: {  	[bflag:$0x3] =	sbarrier.arrive $0xFFFF  }
0xb3: {  	_ =	shalt  }

// kernel: kernel.8.cloned.1.call-start
scs
__scs_entry_jumppad:
0x0: {  	(pc) =	sbr.rel $0x88, $3  }
0x1: {  	(tag) =	ssettag $0x0;
	lr =	simm.s32 $0x1  }
0x2: {  	[smem:$0x3F98] =	sst lr;
	_ =	strace $0xD0000000  }
0x3: {  	_ = 	snop  }
0x4: {  	_ = 	snop  }
0x5: {  	_ = 	snop  }
0x6: {  	_ = 	snop  }
0x7: {  	_ = 	snop  }
__scs_overlays_trampoline_lowered:
0x8: {  	[smem:$0x3FA7] =	sst s0  }
0x9: {  	[smem:$0x3FA8] =	sst s1  }
0xa: {  	[smem:$0x3FA9] =	sst s2  }
0xb: {  	[smem:$0x3FAA] =	sst s3  }
0xc: {  	[smem:$0x3FAB] =	sst s4  }
0xd: {  	[smem:$0x3FAC] =	sst s5  }
0xe: {  	[smem:$0x3FAD] =	sst s6  }
0xf: {  	[smem:$0x3FAE] =	sst s7  }
0x10: {  	[smem:$0x3FAF] =	sst s8  }
0x11: {  	[smem:$0x3FB0] =	sst s9;
	s0 =	simm.s32 @!p0 $0x0  }
0x12: {  	s1 =	sld [smem:$0x3F96];
	s0 =	simm.s32 @p0 $0x1  }
0x13: {  	[smem:$0x3FB1] =	sst s0;
	s0 =	simm.s32 @!p1 $0x0  }
0x14: {  	s2 =	sld [smem:$0x3F95];
	s0 =	simm.s32 @p1 $0x1  }
0x15: {  	[smem:$0x3FB2] =	sst s0;
	s0 =	simm.s32 @!p2 $0x0  }
0x16: {  	s3 =	sld [smem:$0x3FDB];
	s0 =	simm.s32 @p2 $0x1  }
0x17: {  	s4 =	simm.s32 $0x1BF5;
	[smem:$0x3FB4] =	sst s0  }
0x18: {  	s0 =	sld [smem:$0x3F97];
	_ =	swait.ge [sflag:s4], $0x0  }
0x19: {  	s7 =	sld [smem:$0x3F98]  }
0x1a: {  	s8 =	sadd.s32 $0xFFFFE003, lr  }
0x1b: {  	s9 =	sadd.s32 $0xFFFFFEF7, lr;
	s5 =	simm.s32 $0xFFFFFFFF;
	p2 =	slt.u32 s8, $0xFFFFF086  }
0x1c: {  	p1 =	slt.u32 s9, $0xF7A;
	s5 =	simm.s32 @!p2 $0x0  }
0x1d: {  	s5 =	simm.s32 @p1 $0x1;
	p0 =	seq.s32 s7, s2  }
0x1e: {  	s7 =	smul.u32 @!p0 $0xF7A, s2;
	p2 =	seq.s32 @!p0 s5, $0x0  }
0x1f: {  	s9 =	smul.u32 $0xF7A, s1;
	s8 =	simm.s32 @!p0 $0x1BF5;
	p2 =	por !p2, p0  }
0x20: {  	[sflag:s8] =	ssyncset.s32 @!p0 $0xFFFFF086;
	s6 =	sadd.s32 @!p0 s3, s7;
	s7 =	simm.s32 @!p0 $0x108  }
0x21: {  	s3 =	sadd.s32 s3, s9;
	s6 =	sadd.s32 @!p0 $0x88, s6;
	s7 =	simm.s32 @p2 $0x1082  }
0x22: {  	[simem:s7], [sflag:s8] =	dma.local @!p0 [hbm:s6], $0xF7A  }
0x23: {  	s9 =	sor.u32 $0xD0000000, s2;
	s6 =	simm.s32 $0x108;
	_ =	swait.ge @!p0 [sflag:s8], $0x0  }
0x24: {  	s3 =	sadd.s32 $0x88, s3;
	s6 =	simm.s32 @!p1 $0x1082;
	[sflag:s4] =	ssyncset.s32 $0xFFFFF086  }
0x25: {  	[simem:s6], [sflag:s4] =	dma.local [hbm:s3], $0xF7A  }
0x26: {  	[smem:$0x3F98] =	sst s1;
	(tag) =	ssettag s2;
	_ =	strace s9  }
0x27: {  	s1 =	sld [smem:$0x3FA8]  }
0x28: {  	s2 =	sld [smem:$0x3FA9]  }
0x29: {  	s4 =	sld [smem:$0x3FAB]  }
0x2a: {  	p0 =	seq.s32 s5, $0x0;
	s5 =	sld [smem:$0x3FAC]  }
0x2b: {  	s6 =	sld [smem:$0x3FAD]  }
0x2c: {  	s7 =	sld [smem:$0x3FAE]  }
0x2d: {  	s3 =	simm.s32 $0x108;
	s8 =	sld [smem:$0x3FAF]  }
0x2e: {  	s3 =	simm.s32 @!p0 $0x1082;
	s9 =	sld [smem:$0x3FB0]  }
0x2f: {  	lr =	sadd.s32 s0, s3;
	s0 =	sld [smem:$0x3FA7]  }
0x30: {  	s3 =	sld [smem:$0x3FAA]  }
0x31: {  	[smem:$0x3FB3] =	sst s10  }
0x32: {  	s10 =	sld [smem:$0x3FB1];
	_ =	sdelay $0x3  }
0x33: {  	p0 =	seq.s32 s10, $0x1;
	s10 =	sld [smem:$0x3FB3];
	_ =	sdelay $0x3  }
0x34: {  	[smem:$0x3FB3] =	sst s10  }
0x35: {  	s10 =	sld [smem:$0x3FB2];
	_ =	sdelay $0x3  }
0x36: {  	p1 =	seq.s32 s10, $0x1;
	s10 =	sld [smem:$0x3FB3];
	_ =	sdelay $0x3  }
0x37: {  	[smem:$0x3FB3] =	sst s10  }
0x38: {  	s10 =	sld [smem:$0x3FB4]  }
0x39: {  	_ = 	snop;
	(pc) =	sbr.ind lr, $3  }
0x3a: {  	_ = 	snop  }
0x3b: {  	_ = 	snop  }
0x3c: {  	p2 =	seq.s32 s10, $0x1;
	s10 =	sld [smem:$0x3FB3]  }
0x3d: {  	_ =	shalt  }
0x3e: {  	_ =	shalt  }
0x3f: {  	_ =	shalt  }
0x40: {  	_ =	shalt  }
0x41: {  	_ =	shalt  }
0x42: {  	_ =	shalt  }
0x43: {  	_ =	shalt  }
0x44: {  	_ =	shalt  }
0x45: {  	_ =	shalt  }
0x46: {  	_ =	shalt  }
0x47: {  	_ =	shalt  }
0x48: {  	_ =	shalt  }
0x49: {  	_ =	shalt  }
0x4a: {  	_ =	shalt  }
0x4b: {  	_ =	shalt  }
0x4c: {  	_ =	shalt  }
0x4d: {  	_ =	shalt  }
0x4e: {  	_ =	shalt  }
0x4f: {  	_ =	shalt  }
0x50: {  	_ =	shalt  }
0x51: {  	_ =	shalt  }
0x52: {  	_ =	shalt  }
0x53: {  	_ =	shalt  }
0x54: {  	_ =	shalt  }
0x55: {  	_ =	shalt  }
0x56: {  	_ =	shalt  }
0x57: {  	_ =	shalt  }
0x58: {  	_ =	shalt  }
0x59: {  	_ =	shalt  }
0x5a: {  	_ =	shalt  }
0x5b: {  	_ =	shalt  }
0x5c: {  	_ =	shalt  }
0x5d: {  	_ =	shalt  }
0x5e: {  	_ =	shalt  }
0x5f: {  	_ =	shalt  }
0x60: {  	_ =	shalt  }
0x61: {  	_ =	shalt  }
0x62: {  	_ =	shalt  }
0x63: {  	_ =	shalt  }
0x64: {  	_ =	shalt  }
0x65: {  	_ =	shalt  }
0x66: {  	_ =	shalt  }
0x67: {  	_ =	shalt  }
0x68: {  	_ =	shalt  }
0x69: {  	_ =	shalt  }
0x6a: {  	_ =	shalt  }
0x6b: {  	_ =	shalt  }
0x6c: {  	_ =	shalt  }
0x6d: {  	_ =	shalt  }
0x6e: {  	_ =	shalt  }
0x6f: {  	_ =	shalt  }
0x70: {  	_ =	shalt  }
0x71: {  	_ =	shalt  }
0x72: {  	_ =	shalt  }
0x73: {  	_ =	shalt  }
0x74: {  	_ =	shalt  }
0x75: {  	_ =	shalt  }
0x76: {  	_ =	shalt  }
0x77: {  	_ =	shalt  }
0x78: {  	_ =	shalt  }
0x79: {  	_ =	shalt  }
0x7a: {  	_ =	shalt  }
0x7b: {  	_ =	shalt  }
0x7c: {  	_ =	shalt  }
0x7d: {  	_ =	shalt  }
0x7e: {  	_ =	shalt  }
0x7f: {  	_ =	shalt  }
0x80: {  	_ =	shalt  }
0x81: {  	_ =	shalt  }
0x82: {  	_ =	shalt  }
0x83: {  	_ =	shalt  }
0x84: {  	_ =	shalt  }
0x85: {  	_ =	shalt  }
0x86: {  	_ =	shalt  }
0x87: {  	_ =	shalt  }
.Lfunc_end0:
.L_simem_size_0:
called_computation_lowered:
.L_overlay_start_0:
0x88: {  	s2 =	sld [smem:$0x3FD9]  }
0x89: {  	s3 =	sld [smem:$0x3FFE];
	_ =	sdelay $0x1  }
0x8a: {  	s1 =	srdreg.scid  }
0x8b: {  	s0 =	sand.u32 $0x1, s1  }
0x8c: {  	s17 =	sshll.u32 s0, $0xA;
	s2 =	sadd.s32 s3, s2  }
0x8d: {  	s2 =	sadd.s32 s2, s17  }
0x8e: {  	[smem:$0x3FBF] =	sst s2  }
0x8f: {  	_ = 	snop  }
0x90: {  	s2 =	sld [smem:$0x3FD0];
	(tm) =	ssettm $0x1  }
0x91: {  	s18 =	sld [smem:$0x3FFB];
	_ =	sdelay $0x3  }
0x92: {  	_ =	strace s18  }
0x93: {  	s3 =	sld [smem:$0x3FFC];
	_ =	sdelay $0x3  }
0x94: {  	_ =	strace s3  }
0x95: {  	s3 =	sld [smem:$0x3FFD];
	_ =	sdelay $0x3  }
0x96: {  	_ =	strace s3  }
0x97: {  	_ =	strace $0x8FFFFFFF  }
0x98: {  	s19 =	sld [smem:$0x3FDB];
	_ =	sdelay $0x1  }
0x99: {  	s4 =	simm.s32 $_scs_section_size  }
0x9a: {  	s5 =	simm.s32 $_size__tile_overlayer_lowered;
	s6 =	simm.s32 $_tile_overlayer_lowered  }
0x9b: {  	s22 =	simm.s32 $0x1BFF;
	s21 =	sshll.u32 s6, $0x1;
	s3 =	sadd.s32 s4, s19  }
0x9c: {  	s7 =	simm.s32 $0x0;
	s20 =	sshll.u32 s5, $0x1;
	s5 =	sadd.s32 s21, s3  }
0x9d: {  	[timem:s7], [sflag:s22] =	dma.local [hbm:s5], s20  }
0x9e: {  	_ =	swait.ge [sflag:s22], s20  }
0x9f: {  	s4 =	ssub.s32 $0x0, s20;
	[sflag:s22] =	ssyncset.done $0x0  }
0xa0: {  	[sflag:s22] =	ssyncadd.s32 s4;
	_ =	sdelay $0x1  }
0xa1: {  	s23 =	simm.s32 $0x1B8B  }
0xa2: {  	_ =	swait.ge [sflag:s23], $0x1  }
0xa3: {  	[sflag:s23] =	ssyncset.done $0x0  }
0xa4: {  	s25 =	simm.s32 $0x1B8E;
	s24 =	sld [smem:$0x3FFE];
	[sflag:s23] =	ssyncadd.s32 $0xFFFFFFFF  }
0xa5: {  	s26 =	simm.s32 $execute0_lowered;
	[smem:$0x3FD2] =	sst s25  }
0xa6: {  	s5 =	sshll.u32 s26, $0x1;
	_ =	strace $0x80000046;
	[dreg:$0x1] =	wrdreg $0xFFFFFFFF  }
0xa7: {  	s28 =	simm.s32 $_size_execute0_lowered;
	s3 =	sadd.s32 s3, s5;
	[dreg:$0x0] =	wrdreg $0x0  }
0xa8: {  	s5 =	sshll.u32 s28, $0x1;
	[dreg:$0x2] =	wrdreg s3  }
0xa9: {  	[dreg:$0x3] =	wrdreg s5  }
0xaa: {  	[dreg:$0x4] =	wrdreg $0xC0  }
0xab: {  	_ =	task [dreg:s7], $0x5FFFF  }
0xac: {  	[dreg:$0x1] =	wrdreg $0xFFFFFFFF  }
0xad: {  	[dreg:$0x0] =	wrdreg $0x60  }
0xae: {  	[dreg:$0x2] =	wrdreg s24  }
0xaf: {  	[dreg:$0x3] =	wrdreg s2  }
0xb0: {  	[dreg:$0x4] =	wrdreg $0x0  }
0xb1: {  	[dreg:$0x5] =	wrdreg $0x9  }
0xb2: {  	_ =	task.clear_ibuf [dreg:s7], $0x6FFFF;
	_ =	strace $0x90000046  }
0xb3: {  	s29 =	simm.s32 $0x9;
	_ =	strace $0x80000048  }
0xb4: {  	_ =	swait.ge [sflag:s29], $0x1  }
0xb5: {  	[sflag:s29] =	ssyncadd.s32 $0xFFFFFFFF  }
0xb6: {  	_ =	strace $0x90000048  }
0xb7: {  	_ =	sfence  }
0xb8: {  	s30 =	sld [smem:$0x0];
	_ =	sdelay $0x2  }
0xb9: {  	s31 =	sshll.u32 s1, $0xD;
	s1 =	sshrl.u32 s1, $0x2  }
0xba: {  	s3 =	sand.u32 $0x4000, s31;
	s1 =	sadd.s32 s1, s30  }
0xbb: {  	s0 =	sor.u32 s3, s0;
	s1 =	sshll.u32 s1, $0x11  }
0xbc: {  	s0 =	sor.u32 s1, s0  }
0xbd: {  	s0 =	sadd.s32 $0x8F2B, s0  }
0xbe: {  	[sflag:s0] =	ssyncadd.remote.s32 $0x1  }
0xbf: {  	_ =	sfence.sel $0xFFFF  }
0xc0: {  	[dreg:$0x0] =	wrdreg $0xFFFFFFFF;
	(pc) =	sbr.abs _section_cstart, $3  }
0xc1: {  	[dreg:$0x1] =	wrdreg $0xFFFFFFFF  }
0xc2: {  	_ =	task.clear_ibuf [dreg:s7], $0x2FFFF;
	_ =	strace $0x9FFFFFFF  }
0xc3: {  	(tm) =	ssettm $0x7FFFFFFF  }
tec
execute0_lowered:
.L_overlay_start_1:
0x0: {  	(tag) =	ssettag $0x1  }
0x1: {  	s4 =	rddreg [dreg:$0x0]  }
0x2: {  	s7 =	rddreg [dreg:$0x1]  }
0x3: {  	s2 =	rddreg [dreg:$0x2];
	s3 =	srdreg.scid  }
0x4: {  	s1 =	stileid.u32;
	s0 =	rddreg [dreg:$0x3];
	s13 =	simm.s32 $0x2800  }
0x5: {  	s14 =	simm.s32 $0x80;
	s15 =	simm.s32 $0x0;
	s5 =	sand.u32 $0x1, s3  }
0x6: {  	s6 =	sshll.u32 s1, $0x1;
	s3 =	simm.s32 $0x0;
	s8 =	smul.u32 $0x2800, s1  }
0x7: {  	s31 =	sshll.u32 s1, $0x6;
	s6 =	sor.u32 s5, s6;
	s10 =	smul.u32 $0x28000, s5  }
0x8: {  	[smem:$0x7FF] =	sst s3;
	s5 =	ssub.s32 $0x2, s5;
	s6 =	smul.u32 $0x500, s6  }
0x9: {  	_ =	strace $0x80000047;
	s9 =	sshrl.u32 s8, $0x3;
	s11 =	sshrl.u32 s5, $0x1  }
0xa: {  	s12 =	sadd.s32 s8, s2;
	s9 =	sadd.s32 s9, s4;
	s10 =	sadd.s32 s8, s10  }
0xb: {  	s11 =	ssub.s32 s5, s11;
	s12 =	sshrl.u32 s12, $0x3;
	s6 =	sadd.s32 s6, s4  }
0xc: {  	s4 =	sadd.s32 $0x1BC00, s4;
	s30 =	sshrl.u32 s10, $0x3;
	s5 =	sadd.s32 $0x16C00, s9  }
0xd: {  	s8 =	smax.u32 s11, $0x1;
	s9 =	simm.s32 $0x5000;
	s10 =	simm.s32 $0x1  }
0xe: {  	s11 =	sor.u32 $0x1C01, s31;
	s6 =	sadd.s32 $0xCC00, s6;
	s7 =	sadd.s32 s7, s30  }
.LBB2_1:
0xf: {  	[tilespmem:s9], [sflag:$0x1] =	stream.linear.gather [hbm4b:s4+s3], $0x800, $0x38;
	[tilespmem:$0x5800] =	vst v63  }
0x10: {  	_ =	swait.ge [sflag:s10], $0x800  }
0x11: {  	[sflag:s10] =	ssyncset.done $0x0  }
0x12: {  	[sflag:s10] =	ssyncadd.s32 $0xFFFFF800  }
0x13: {  	[spmem:s12], [sflag:s11] =	dma.local [hbm:s5], $0x500  }
0x14: {  	_ =	swait.ge [sflag:s10], $0x500  }
0x15: {  	[sflag:s10] =	ssyncset.done $0x0  }
0x16: {  	[sflag:s10] =	ssyncadd.s32 $0xFFFFFB00  }
0x17: {  	[tilespmem:s13], [sflag:$0x1] =	stream.linear.gather [hbm4b:s6+s3], $0x2800, $0x38;
	[tilespmem:$0x5800] =	vst v63  }
0x18: {  	_ =	swait.ge [sflag:s10], $0x2800  }
0x19: {  	[sflag:s10] =	ssyncset.done $0x0  }
0x1a: {  	[sflag:s10] =	ssyncadd.s32 $0xFFFFD800  }
0x1b: {  	s16 =	simm.s32 $0x2800;
	[bflag:$0x0] =	sbarrier.arrive $0xFFFF  }
0x1c: {  	[spmem:s2] =	stream.indirect.scatter.add.f32 [tilespmem:s9], [sflag:$0x1], $0x10, s16, s14, $0xb8;
	[tilespmem:$0x5800] =	vst v63  }
0x1d: {  	s16 =	simm.s32 $0x200;
	_ =	swait.ge [sflag:s10], $0x800  }
.LBB2_2:
0x1e: {  	s17 =	sshra.s32 s16, $0x2;
	[sflag:s10] =	ssyncset.done $0x0;
	p0 =	sne.s32 s16, $0x9E00  }
.Ltmp0:
0x1f: {  	s17 =	sadd.s32 $0x2800, s17;
	[sflag:s10] =	ssyncadd.s32 $0xFFFFF800;
	(pc) =	sbr.rel @p0 .LBB2_2-.Ltmp0, $3  }
0x20: {  	[spmem:s2] =	stream.indirect.scatter.add.f32 [tilespmem:s9], [sflag:$0x1], $0x10, s17, s14, $0xb8;
	[tilespmem:$0x5800] =	vst v63  }
0x21: {  	s16 =	sadd.s32 $0x200, s16;
	_ =	sdelay $0x1  }
0x22: {  	_ =	swait.ge [sflag:s10], $0x800  }
0x23: {  	[sflag:s10] =	ssyncset.done $0x0;
	s15 =	sadd.s32 $0x1, s15  }
0x24: {  	[sflag:s10] =	ssyncadd.s32 $0xFFFFF800;
	p0 =	sne.s32 s15, s8  }
.Ltmp1:
0x25: {  	[bflag:$0x0] =	sbarrier.arrive $0xFFFF;
	(pc) =	sbr.rel @p0 .LBB2_1-.Ltmp1, $4  }
0x26: {  	[hbm:s7], [sflag:s11] =	dma.local [spmem:s12], $0x500  }
0x27: {  	_ =	swait.ge [sflag:s10], $0x500  }
0x28: {  	[sflag:s10] =	ssyncset.done $0x0  }
0x29: {  	[sflag:s10] =	ssyncadd.s32 $0xFFFFFB00  }
0x2a: {  	_ =	sfence.sel $0x180000  }
0x2b: {  	[bflag:$0x0] =	sbarrier.arrive $0xFFFF  }
0x2c: {  	p0 =	sne.s32 s1, $0x0;
	_ =	strace $0x90000047  }
0x2d: {  	s0 =	sadd.s32 @!p0 $0x100000, s0;
	[bflag:$0x2] =	sbarrier.arrive $0xFFFF  }
0x2e: {  	[sflag:s0] =	ssyncadd.tile.s32 @!p0 $0x1;
	_ =	shalt  }
.Lfunc_end2:
_tile_overlayer_lowered:
.L_overlay_start_2:
0x2f: {  	(tag) =	ssettag $0x2  }
0x30: {  	s0 =	rddreg [dreg:$0x0];
	s2 =	stileid.u32  }
0x31: {  	s1 =	rddreg [dreg:$0x1];
	p0 =	sne.s32 s2, $0x0  }
0x32: {  	s3 =	rddreg [dreg:$0x2];
	[bflag:$0x3] =	sbarrier.arrive $0xFFFF;
	s2 =	simm.s32 @!p0 $0x1C01  }
0x33: {  	[timem:s3], [sflag:s2] =	dma.local @!p0 [hbm:s0], s1  }
0x34: {  	s0 =	simm.s32 @!p0 $0x1  }
0x35: {  	_ =	swait.ge @!p0 [sflag:s0], s1  }
0x36: {  	s1 =	ssub.s32 @!p0 $0x0, s1;
	[sflag:s0] =	ssyncset.done @!p0 $0x0  }
0x37: {  	[sflag:s0] =	ssyncadd.s32 @!p0 s1  }
0x38: {  	[bflag:$0x3] =	sbarrier.arrive $0xFFFF  }
0x39: {  	_ =	shalt  }

</sc_bundles>
